<compile_context>
chip_gen: v7x
topology: tpu7x:2x2x1
jax: 0.10.2.dev20260603
libtpu: 0.0.44.dev20260713+nightly
codegen_flags: <defaults>
</compile_context>

<pallas_src>
import functools

import jax
import jax.numpy as jnp
from jax import lax
from jax.experimental import pallas as pl
from jax.experimental.pallas import tpu as pltpu
from jax.experimental.pallas import tpu_sc as plsc

_NC = 2
_NS = 16
_C = 128


@functools.partial(jax.jit, static_argnums=(0, 1, 2, 3))
def _sc_agg_parts(n, d, steps, n_extra, x, edges):
    nw = _NC * _NS
    rpt = (n // _NS) // 8 * 8
    rem = n - rpt * _NS
    full = rpt // _C
    part = rpt - full * _C

    mesh = plsc.VectorSubcoreMesh(core_axis_name="c", subcore_axis_name="s")

    @functools.partial(
        pl.kernel,
        mesh=mesh,
        out_type=[jax.ShapeDtypeStruct((n, d), jnp.float32),
                  jax.ShapeDtypeStruct((n, d), jnp.float32)],
        scratch_types=[
            [pltpu.VMEM((2, _C), jnp.int32)] * 4,
            [pltpu.VMEM((_C, d), jnp.float32)] * 2,
            [pltpu.SemaphoreType.DMA] * 4,
            [pltpu.SemaphoreType.DMA] * 2,
            pltpu.VMEM_SHARED((n, d), jnp.float32),
        ],
    )
    def k(x_hbm, edges_hbm, out0_hbm, out1_hbm, eb, rows, si, ss,
          accum):
        cid = lax.axis_index("c")
        sid = lax.axis_index("s")
        wid = cid * _NS + sid
        ebase = wid * steps * _C

        def idx_start(c, k_):
            off = ebase + c * _C
            pltpu.async_copy(edges_hbm.at[:, pl.ds(off, _C)], eb[k_],
                             si[k_])

        def idx_wait(c, k_):
            off = ebase + c * _C
            pltpu.make_async_copy(edges_hbm.at[:, pl.ds(off, _C)], eb[k_],
                                  si[k_]).wait()

        def gather_start(k_, r_):
            pltpu.async_copy(x_hbm.at[eb[k_].at[0]], rows[r_], ss[r_])

        def gather_wait(k_, r_):
            pltpu.make_async_copy(x_hbm.at[eb[k_].at[0]], rows[r_],
                                  ss[r_]).wait()

        def scat_start(k_, r_):
            pltpu.async_copy(rows[r_], accum.at[eb[k_].at[1]], ss[r_],
                             add=True)

        def scat_wait(k_, r_):
            pltpu.make_async_copy(rows[r_], accum.at[eb[k_].at[1]],
                                  ss[r_]).wait()

        for k_ in range(4):
            idx_start(k_, k_)
        idx_wait(0, 0)
        gather_start(0, 0)

        zv = jnp.zeros((16,), jnp.float32)

        def zrow(r, _):
            for cc in range(d // 16):
                rows[1][r, pl.ds(cc * 16, 16)] = zv
            return 0

        lax.fori_loop(0, _C, zrow, 0)
        zbase = sid * rpt
        for b in range(full):
            pltpu.sync_copy(rows[1], accum.at[pl.ds(zbase + b * _C, _C)])
        if part:
            pltpu.sync_copy(rows[1].at[pl.ds(0, part)],
                            accum.at[pl.ds(zbase + full * _C, part)])
        if rem:
            @pl.when(sid == 0)
            def _():
                pltpu.sync_copy(rows[1].at[pl.ds(0, rem)],
                                accum.at[pl.ds(rpt * _NS, rem)])

        plsc.subcore_barrier()

        def slot(q, k_, do_scat_wait=True, do_refill=True, do_next=True):
            if do_next:
                idx_wait(q + 1, (k_ + 1) % 4)
            if do_scat_wait:
                scat_wait((k_ - 1) % 4, (k_ + 1) % 2)
            if do_next:
                gather_start((k_ + 1) % 4, (k_ + 1) % 2)
            if do_refill:
                idx_start(q + 3, (k_ - 1) % 4)
            gather_wait(k_ % 4, k_ % 2)
            scat_start(k_ % 4, k_ % 2)

        slot(0, 0, do_scat_wait=False, do_refill=False)
        slot(1, 1)
        slot(2, 2)
        slot(3, 3)

        def quad(j, _):
            c = 4 * j
            for k_ in range(4):
                slot(c + k_, k_)
            return 0

        lax.fori_loop(1, (steps - 6) // 4, quad, 0)

        for q in range(steps - 6, steps):
            k_ = q % 4
            slot(q, k_,
                 do_refill=(q + 3 < steps),
                 do_next=(q + 1 < steps))
        scat_wait((steps - 1) % 4, (steps - 1) % 2)

        if n_extra:
            @pl.when(jnp.logical_and(wid % 8 == 0, wid // 8 < n_extra))
            def _():
                off = nw * steps * _C + (wid // 8) * _C
                pltpu.sync_copy(edges_hbm.at[:, pl.ds(off, _C)], eb[0])
                pltpu.async_copy(x_hbm.at[eb[0].at[0]], rows[0], ss[0])
                pltpu.make_async_copy(x_hbm.at[eb[0].at[0]], rows[0],
                                      ss[0]).wait()
                pltpu.sync_copy(rows[0], accum.at[eb[0].at[1]], add=True)

        plsc.subcore_barrier()

        @pl.when(cid == 0)
        def _():
            pltpu.sync_copy(accum.at[pl.ds(sid * rpt, rpt)],
                            out0_hbm.at[pl.ds(sid * rpt, rpt)])
            if rem:
                @pl.when(sid == 0)
                def _():
                    pltpu.sync_copy(accum.at[pl.ds(rpt * _NS, rem)],
                                    out0_hbm.at[pl.ds(rpt * _NS, rem)])

        @pl.when(cid == 1)
        def _():
            pltpu.sync_copy(accum.at[pl.ds(sid * rpt, rpt)],
                            out1_hbm.at[pl.ds(sid * rpt, rpt)])
            if rem:
                @pl.when(sid == 0)
                def _():
                    pltpu.sync_copy(accum.at[pl.ds(rpt * _NS, rem)],
                                    out1_hbm.at[pl.ds(rpt * _NS, rem)])

    return k(x, edges)


_DNUM = (((1,), (1,)), ((), ()))


def _tc_final_body(p0_ref, p1_ref, x_ref, w1l_ref, b1_ref, w1r_ref,
                   w2l_ref, b2_ref, w2r_ref, loc_ref, scale_ref):
    agg = p0_ref[...] + p1_ref[...]
    xb = x_ref[...]
    h1 = (lax.dot_general(agg, w1l_ref[...], _DNUM,
                          preferred_element_type=jnp.float32)
          + lax.dot_general(xb, w1r_ref[...], _DNUM,
                            preferred_element_type=jnp.float32)
          + b1_ref[...])
    loc_ref[...] = jnp.clip(h1, -100.0, 100.0)
    h2 = (lax.dot_general(agg, w2l_ref[...], _DNUM,
                          preferred_element_type=jnp.float32)
          + lax.dot_general(xb, w2r_ref[...], _DNUM,
                            preferred_element_type=jnp.float32)
          + b2_ref[...])
    sp = jnp.maximum(h2, 0.0) + jnp.log1p(jnp.exp(-jnp.abs(h2)))
    scale_ref[...] = jnp.minimum(sp + 0.001, 100.0)


def _tc_final(p0, p1, x, w1l, b1, w1r, w2l, b2, w2r):
    n, d = p0.shape
    blk = 2000
    row_spec = pl.BlockSpec((blk, d), lambda i: (i, 0))
    w_spec = pl.BlockSpec((d, d), lambda i: (0, 0))
    b_spec = pl.BlockSpec((1, d), lambda i: (0, 0))
    return pl.pallas_call(
        _tc_final_body,
        grid=(n // blk,),
        in_specs=[row_spec, row_spec, row_spec,
                  w_spec, b_spec, w_spec, w_spec, b_spec, w_spec],
        out_specs=[row_spec, row_spec],
        out_shape=[jax.ShapeDtypeStruct((n, d), jnp.float32),
                   jax.ShapeDtypeStruct((n, d), jnp.float32)],
    )(p0, p1, x, w1l, b1, w1r, w2l, b2, w2r)


def kernel(x, edge_index, W1l, b1l, W1r, W2l, b2l, W2r):
    n, d = x.shape
    e = edge_index.shape[1]
    nw = _NC * _NS
    steps = e // (_C * nw)
    steps = steps // 2 * 2
    n_extra = (e - nw * steps * _C) // _C
    if not (e % _C == 0 and n_extra <= 4 and steps % 4 == 2 and steps >= 8):
        raise NotImplementedError("edge count layout not supported")
    p0, p1 = _sc_agg_parts(n, d, steps, n_extra, x, edge_index)
    loc, scale = _tc_final(p0, p1, x, W1l, b1l.reshape(1, d), W1r,
                           W2l, b2l.reshape(1, d), W2r)
    return (loc, scale)

# --- scband reference (transcript-rebuilt; emitter-appended) ---
"""Pipeline reference for scband-diag-graph-sagenet-25460566130863 (READ-ONLY COPY).

The authoritative reference and input builder live on the scoring server;
editing this copy changes nothing except your own understanding.
"""

import jax, jax.numpy as jnp
import numpy as np

N, D, E = 10000, 128, 320000

def setup_inputs(seed: int = 0):
    key = jax.random.key(seed)
    ks = jax.random.split(key, 9)
    x = jax.random.normal(ks[0], (N, D), dtype=jnp.float32)
    edge_index = jax.random.randint(ks[1], (2, E), 0, N, dtype=jnp.int32)
    s = 1.0 / np.sqrt(D)
    W1l = jax.random.uniform(ks[2], (D, D), minval=-s, maxval=s, dtype=jnp.float32)
    b1l = jax.random.uniform(ks[3], (D,), minval=-s, maxval=s, dtype=jnp.float32)
    W1r = jax.random.uniform(ks[4], (D, D), minval=-s, maxval=s, dtype=jnp.float32)
    W2l = jax.random.uniform(ks[5], (D, D), minval=-s, maxval=s, dtype=jnp.float32)
    b2l = jax.random.uniform(ks[6], (D,), minval=-s, maxval=s, dtype=jnp.float32)
    W2r = jax.random.uniform(ks[7], (D, D), minval=-s, maxval=s, dtype=jnp.float32)
    return {"x": x, "edge_index": edge_index, "W1l": W1l, "b1l": b1l, "W1r": W1r, "W2l": W2l, "b2l": b2l, "W2r": W2r}

def _sage(x, agg, Wl, bl, Wr):
    # PyG SAGEConv(aggr='sum'): lin_l(agg_neighbors) + lin_r(x); lin_r has no bias
    return agg @ Wl.T + bl + x @ Wr.T

def reference(x, edge_index, W1l, b1l, W1r, W2l, b2l, W2r):
    src = edge_index[0]
    dst = edge_index[1]
    # sum-aggregate neighbor features: scatter-add of gathered source features at destinations
    agg = jnp.zeros_like(x).at[dst].add(x[src])
    loc = jnp.clip(_sage(x, agg, W1l, b1l, W1r), -100.0, 100.0)
    scale = jnp.clip(jax.nn.softplus(_sage(x, agg, W2l, b2l, W2r)) + 0.001, None, 100.0)
    return (loc, scale)

if __name__ == "__main__":
    import jax
    _d = setup_inputs()
    print(jax.jit(kernel)(*tuple(_d.values())))

</pallas_src>

<mosaic_0001>
#map = affine_map<(d0, d1) -> (0, 0)>
module attributes {stable_mosaic.version = 14 : i64} {
  func.func @k(%arg0: i32, %arg1: i32, %arg2: memref<10000x128xf32, #tpu.memory_space<hbm>>, %arg3: memref<2x320000xi32, #tpu.memory_space<hbm>>, %arg4: memref<10000x128xf32, #tpu.memory_space<hbm>>, %arg5: memref<10000x128xf32, #tpu.memory_space<hbm>>, %arg6: memref<2x128xi32, #tpu.memory_space<vmem>>, %arg7: memref<2x128xi32, #tpu.memory_space<vmem>>, %arg8: memref<2x128xi32, #tpu.memory_space<vmem>>, %arg9: memref<2x128xi32, #tpu.memory_space<vmem>>, %arg10: memref<128x128xf32, #tpu.memory_space<vmem>>, %arg11: memref<128x128xf32, #tpu.memory_space<vmem>>, %arg12: memref<!tpu.dma_semaphore, #tpu.memory_space<semaphore_mem>>, %arg13: memref<!tpu.dma_semaphore, #tpu.memory_space<semaphore_mem>>, %arg14: memref<!tpu.dma_semaphore, #tpu.memory_space<semaphore_mem>>, %arg15: memref<!tpu.dma_semaphore, #tpu.memory_space<semaphore_mem>>, %arg16: memref<!tpu.dma_semaphore, #tpu.memory_space<semaphore_mem>>, %arg17: memref<!tpu.dma_semaphore, #tpu.memory_space<semaphore_mem>>, %arg18: memref<10000x128xf32, #tpu.memory_space<vmem_shared>>) attributes {dimension_semantics = [#tpu.dimension_semantics<core_parallel>, #tpu.dimension_semantics<subcore_parallel>], iteration_bounds = array<i64: 2, 16>, scalar_prefetch = 0 : i64, scratch_operands = 13 : i64, tpu.core_type = #tpu.core_type<sc_vector_subcore>, window_params = [{transform_indices = #map}, {transform_indices = #map}, {transform_indices = #map}, {transform_indices = #map}]} {
    %mul3A = arith.constant 16 : i32
    %mul3A_0 = arith.muli %arg0, %mul3A : i32
    %add3A = arith.addi %mul3A_0, %arg1 : i32
    %mul3A_1 = arith.constant 78 : i32
    %mul3A_2 = arith.muli %add3A, %mul3A_1 : i32
    %mul3A_3 = arith.constant 128 : i32
    %mul3A_4 = arith.muli %mul3A_2, %mul3A_3 : i32
    %add3A_5 = arith.constant 0 : i32
    %add3A_6 = arith.addi %mul3A_4, %add3A_5 : i32
    %dma_start3A = arith.constant 0 : i32
    %dma_start3A_7 = tpu.memref_slice %arg3[%dma_start3A, %add3A_6] : memref<2x320000xi32, #tpu.memory_space<hbm>> -> memref<2x128xi32, #tpu.memory_space<hbm>>
    %dma_start3A_8 = arith.constant 0 : i32
    %dma_start3A_9 = tpu.memref_slice %arg3[%dma_start3A_8, %add3A_6] : memref<2x320000xi32, #tpu.memory_space<hbm>> -> memref<2x128xi32, #tpu.memory_space<hbm>>
    tpu.enqueue_dma source(%dma_start3A_9 : memref<2x128xi32, #tpu.memory_space<hbm>>) target(%arg6 : memref<2x128xi32, #tpu.memory_space<vmem>>) target_semaphore(%arg12 : memref<!tpu.dma_semaphore, #tpu.memory_space<semaphore_mem>>)
    %add3A_10 = arith.constant 128 : i32
    %add3A_11 = arith.addi %mul3A_4, %add3A_10 : i32
    %dma_start3A_12 = arith.constant 0 : i32
    %dma_start3A_13 = tpu.memref_slice %arg3[%dma_start3A_12, %add3A_11] : memref<2x320000xi32, #tpu.memory_space<hbm>> -> memref<2x128xi32, #tpu.memory_space<hbm>>
    %dma_start3A_14 = arith.constant 0 : i32
    %dma_start3A_15 = tpu.memref_slice %arg3[%dma_start3A_14, %add3A_11] : memref<2x320000xi32, #tpu.memory_space<hbm>> -> memref<2x128xi32, #tpu.memory_space<hbm>>
    tpu.enqueue_dma source(%dma_start3A_15 : memref<2x128xi32, #tpu.memory_space<hbm>>) target(%arg7 : memref<2x128xi32, #tpu.memory_space<vmem>>) target_semaphore(%arg13 : memref<!tpu.dma_semaphore, #tpu.memory_space<semaphore_mem>>)
    %add3A_16 = arith.constant 256 : i32
    %add3A_17 = arith.addi %mul3A_4, %add3A_16 : i32
    %dma_start3A_18 = arith.constant 0 : i32
    %dma_start3A_19 = tpu.memref_slice %arg3[%dma_start3A_18, %add3A_17] : memref<2x320000xi32, #tpu.memory_space<hbm>> -> memref<2x128xi32, #tpu.memory_space<hbm>>
    %dma_start3A_20 = arith.constant 0 : i32
    %dma_start3A_21 = tpu.memref_slice %arg3[%dma_start3A_20, %add3A_17] : memref<2x320000xi32, #tpu.memory_space<hbm>> -> memref<2x128xi32, #tpu.memory_space<hbm>>
    tpu.enqueue_dma source(%dma_start3A_21 : memref<2x128xi32, #tpu.memory_space<hbm>>) target(%arg8 : memref<2x128xi32, #tpu.memory_space<vmem>>) target_semaphore(%arg14 : memref<!tpu.dma_semaphore, #tpu.memory_space<semaphore_mem>>)
    %add3A_22 = arith.constant 384 : i32
    %add3A_23 = arith.addi %mul3A_4, %add3A_22 : i32
    %dma_start3A_24 = arith.constant 0 : i32
    %dma_start3A_25 = tpu.memref_slice %arg3[%dma_start3A_24, %add3A_23] : memref<2x320000xi32, #tpu.memory_space<hbm>> -> memref<2x128xi32, #tpu.memory_space<hbm>>
    %dma_start3A_26 = arith.constant 0 : i32
    %dma_start3A_27 = tpu.memref_slice %arg3[%dma_start3A_26, %add3A_23] : memref<2x320000xi32, #tpu.memory_space<hbm>> -> memref<2x128xi32, #tpu.memory_space<hbm>>
    tpu.enqueue_dma source(%dma_start3A_27 : memref<2x128xi32, #tpu.memory_space<hbm>>) target(%arg9 : memref<2x128xi32, #tpu.memory_space<vmem>>) target_semaphore(%arg15 : memref<!tpu.dma_semaphore, #tpu.memory_space<semaphore_mem>>)
    %add3A_28 = arith.constant 0 : i32
    %add3A_29 = arith.addi %mul3A_4, %add3A_28 : i32
    %dma_wait3A = arith.constant 0 : i32
    %dma_wait3A_30 = tpu.memref_slice %arg3[%dma_wait3A, %add3A_29] : memref<2x320000xi32, #tpu.memory_space<hbm>> -> memref<2x128xi32, #tpu.memory_space<hbm>>
    %dma_wait3A_31 = arith.constant 0 : i32
    %dma_wait3A_32 = tpu.memref_slice %arg3[%dma_wait3A_31, %add3A_29] : memref<2x320000xi32, #tpu.memory_space<hbm>> -> memref<2x128xi32, #tpu.memory_space<hbm>>
    tpu.wait_dma2 semaphore(%arg12 : memref<!tpu.dma_semaphore, #tpu.memory_space<semaphore_mem>>) src(%dma_wait3A_32 : memref<2x128xi32, #tpu.memory_space<hbm>>) dst(%arg6 : memref<2x128xi32, #tpu.memory_space<vmem>>)
    %dma_start3A_33 = arith.constant 0 : i32
    %dma_start3A_34 = arith.constant 0 : i32
    %dma_start3A_35 = tpu.memref_slice %arg6[%dma_start3A_33, %dma_start3A_34] : memref<2x128xi32, #tpu.memory_space<vmem>> -> memref<1x128xi32, #tpu.memory_space<vmem>>
    %dma_start3A_36 = tpu.memref_squeeze %dma_start3A_35 : memref<1x128xi32, #tpu.memory_space<vmem>> -> memref<128xi32, #tpu.memory_space<vmem>>
    %dma_start3A_37 = arith.constant 0 : i32
    %dma_start3A_38 = arith.constant 0 : i32
    %dma_start3A_39 = tpu.memref_slice %arg2[%dma_start3A_37, %dma_start3A_38] : memref<10000x128xf32, #tpu.memory_space<hbm>> -> memref<10000x128xf32, #tpu.memory_space<hbm>>
    tpu.enqueue_indirect_dma source(%dma_start3A_39 : memref<10000x128xf32, #tpu.memory_space<hbm>>) target(%arg10 : memref<128x128xf32, #tpu.memory_space<vmem>>) offsets(%dma_start3A_36 : memref<128xi32, #tpu.memory_space<vmem>>) semaphore(%arg16 : memref<!tpu.dma_semaphore, #tpu.memory_space<semaphore_mem>>)
    %broadcast_in_dim3A = arith.constant 0.000000e+00 : f32
    %broadcast_in_dim3A_40 = vector.broadcast %broadcast_in_dim3A : f32 to vector<16xf32>
    %scan3A = arith.constant 0 : i32
    %scan3A_41 = arith.constant 0 : i32
    %scan3A_42 = arith.constant 128 : i32
    %scan3A_43 = arith.addi %scan3A_41, %scan3A_42 : i32
    %scan3A_44 = arith.constant 1 : i32
    %scan3A_45 = scf.for %scan3A_481 = %scan3A_41 to %scan3A_43 step %scan3A_44 iter_args(%scan3A_482 = %scan3A) -> (i32)  : i32 {
      %swap3A = arith.index_cast %scan3A_481 : i32 to index
      %swap3A_483 = arith.constant 0 : index
      %swap3A_484 = tpu.vector_load %arg11[%swap3A, %swap3A_483] {strides = array<i32>} : memref<128x128xf32, #tpu.memory_space<vmem>>, vector<1x16xf32>,
      %swap3A_485 = vector.shape_cast %swap3A_484 : vector<1x16xf32> to vector<16xf32>
      %swap3A_486 = vector.shape_cast %broadcast_in_dim3A_40 : vector<16xf32> to vector<1x16xf32>
      tpu.vector_store %arg11[%swap3A, %swap3A_483], %swap3A_486 {strides = array<i32>} : memref<128x128xf32, #tpu.memory_space<vmem>>, vector<1x16xf32>,
      %swap3A_487 = arith.index_cast %scan3A_481 : i32 to index
      %swap3A_488 = arith.constant 16 : index
      %swap3A_489 = tpu.vector_load %arg11[%swap3A_487, %swap3A_488] {strides = array<i32>} : memref<128x128xf32, #tpu.memory_space<vmem>>, vector<1x16xf32>,
      %swap3A_490 = vector.shape_cast %swap3A_489 : vector<1x16xf32> to vector<16xf32>
      %swap3A_491 = vector.shape_cast %broadcast_in_dim3A_40 : vector<16xf32> to vector<1x16xf32>
      tpu.vector_store %arg11[%swap3A_487, %swap3A_488], %swap3A_491 {strides = array<i32>} : memref<128x128xf32, #tpu.memory_space<vmem>>, vector<1x16xf32>,
      %swap3A_492 = arith.index_cast %scan3A_481 : i32 to index
      %swap3A_493 = arith.constant 32 : index
      %swap3A_494 = tpu.vector_load %arg11[%swap3A_492, %swap3A_493] {strides = array<i32>} : memref<128x128xf32, #tpu.memory_space<vmem>>, vector<1x16xf32>,
      %swap3A_495 = vector.shape_cast %swap3A_494 : vector<1x16xf32> to vector<16xf32>
      %swap3A_496 = vector.shape_cast %broadcast_in_dim3A_40 : vector<16xf32> to vector<1x16xf32>
      tpu.vector_store %arg11[%swap3A_492, %swap3A_493], %swap3A_496 {strides = array<i32>} : memref<128x128xf32, #tpu.memory_space<vmem>>, vector<1x16xf32>,
      %swap3A_497 = arith.index_cast %scan3A_481 : i32 to index
      %swap3A_498 = arith.constant 48 : index
      %swap3A_499 = tpu.vector_load %arg11[%swap3A_497, %swap3A_498] {strides = array<i32>} : memref<128x128xf32, #tpu.memory_space<vmem>>, vector<1x16xf32>,
      %swap3A_500 = vector.shape_cast %swap3A_499 : vector<1x16xf32> to vector<16xf32>
      %swap3A_501 = vector.shape_cast %broadcast_in_dim3A_40 : vector<16xf32> to vector<1x16xf32>
      tpu.vector_store %arg11[%swap3A_497, %swap3A_498], %swap3A_501 {strides = array<i32>} : memref<128x128xf32, #tpu.memory_space<vmem>>, vector<1x16xf32>,
      %swap3A_502 = arith.index_cast %scan3A_481 : i32 to index
      %swap3A_503 = arith.constant 64 : index
      %swap3A_504 = tpu.vector_load %arg11[%swap3A_502, %swap3A_503] {strides = array<i32>} : memref<128x128xf32, #tpu.memory_space<vmem>>, vector<1x16xf32>,
      %swap3A_505 = vector.shape_cast %swap3A_504 : vector<1x16xf32> to vector<16xf32>
      %swap3A_506 = vector.shape_cast %broadcast_in_dim3A_40 : vector<16xf32> to vector<1x16xf32>
      tpu.vector_store %arg11[%swap3A_502, %swap3A_503], %swap3A_506 {strides = array<i32>} : memref<128x128xf32, #tpu.memory_space<vmem>>, vector<1x16xf32>,
      %swap3A_507 = arith.index_cast %scan3A_481 : i32 to index
      %swap3A_508 = arith.constant 80 : index
      %swap3A_509 = tpu.vector_load %arg11[%swap3A_507, %swap3A_508] {strides = array<i32>} : memref<128x128xf32, #tpu.memory_space<vmem>>, vector<1x16xf32>,
      %swap3A_510 = vector.shape_cast %swap3A_509 : vector<1x16xf32> to vector<16xf32>
      %swap3A_511 = vector.shape_cast %broadcast_in_dim3A_40 : vector<16xf32> to vector<1x16xf32>
      tpu.vector_store %arg11[%swap3A_507, %swap3A_508], %swap3A_511 {strides = array<i32>} : memref<128x128xf32, #tpu.memory_space<vmem>>, vector<1x16xf32>,
      %swap3A_512 = arith.index_cast %scan3A_481 : i32 to index
      %swap3A_513 = arith.constant 96 : index
      %swap3A_514 = tpu.vector_load %arg11[%swap3A_512, %swap3A_513] {strides = array<i32>} : memref<128x128xf32, #tpu.memory_space<vmem>>, vector<1x16xf32>,
      %swap3A_515 = vector.shape_cast %swap3A_514 : vector<1x16xf32> to vector<16xf32>
      %swap3A_516 = vector.shape_cast %broadcast_in_dim3A_40 : vector<16xf32> to vector<1x16xf32>
      tpu.vector_store %arg11[%swap3A_512, %swap3A_513], %swap3A_516 {strides = array<i32>} : memref<128x128xf32, #tpu.memory_space<vmem>>, vector<1x16xf32>,
      %swap3A_517 = arith.index_cast %scan3A_481 : i32 to index
      %swap3A_518 = arith.constant 112 : index
      %swap3A_519 = tpu.vector_load %arg11[%swap3A_517, %swap3A_518] {strides = array<i32>} : memref<128x128xf32, #tpu.memory_space<vmem>>, vector<1x16xf32>,
      %swap3A_520 = vector.shape_cast %swap3A_519 : vector<1x16xf32> to vector<16xf32>
      %swap3A_521 = vector.shape_cast %broadcast_in_dim3A_40 : vector<16xf32> to vector<1x16xf32>
      tpu.vector_store %arg11[%swap3A_517, %swap3A_518], %swap3A_521 {strides = array<i32>} : memref<128x128xf32, #tpu.memory_space<vmem>>, vector<1x16xf32>,
      %scan3A_522 = arith.constant 0 : i32
      scf.yield %scan3A_522 : i32
    }
    %scan3A_46 = arith.constant 128 : i32
    %mul3A_47 = arith.constant 624 : i32
    %mul3A_48 = arith.muli %arg1, %mul3A_47 : i32
    %add3A_49 = arith.constant 0 : i32
    %add3A_50 = arith.addi %mul3A_48, %add3A_49 : i32
    "tpu.region"() ({
      %run_scoped3A = tpu.sem_alloc : memref<!tpu.dma_semaphore, #tpu.memory_space<semaphore_mem>>
      %dma_start3A_481 = arith.constant 0 : i32
      %dma_start3A_482 = tpu.memref_slice %arg18[%add3A_50, %dma_start3A_481] : memref<10000x128xf32, #tpu.memory_space<vmem_shared>> -> memref<128x128xf32, #tpu.memory_space<vmem_shared>>
      %dma_start3A_483 = arith.constant 0 : i32
      %dma_start3A_484 = tpu.memref_slice %arg18[%add3A_50, %dma_start3A_483] : memref<10000x128xf32, #tpu.memory_space<vmem_shared>> -> memref<128x128xf32, #tpu.memory_space<vmem_shared>>
      tpu.enqueue_dma source(%arg11 : memref<128x128xf32, #tpu.memory_space<vmem>>) target(%dma_start3A_484 : memref<128x128xf32, #tpu.memory_space<vmem_shared>>) target_semaphore(%run_scoped3A : memref<!tpu.dma_semaphore, #tpu.memory_space<semaphore_mem>>)
      %dma_wait3A_485 = arith.constant 0 : i32
      %dma_wait3A_486 = tpu.memref_slice %arg18[%add3A_50, %dma_wait3A_485] : memref<10000x128xf32, #tpu.memory_space<vmem_shared>> -> memref<128x128xf32, #tpu.memory_space<vmem_shared>>
      %dma_wait3A_487 = arith.constant 0 : i32
      %dma_wait3A_488 = tpu.memref_slice %arg18[%add3A_50, %dma_wait3A_487] : memref<10000x128xf32, #tpu.memory_space<vmem_shared>> -> memref<128x128xf32, #tpu.memory_space<vmem_shared>>
      tpu.wait_dma2 semaphore(%run_scoped3A : memref<!tpu.dma_semaphore, #tpu.memory_space<semaphore_mem>>) src(%arg11 : memref<128x128xf32, #tpu.memory_space<vmem>>) dst(%dma_wait3A_488 : memref<128x128xf32, #tpu.memory_space<vmem_shared>>)
      tpu.yield
    }) : () -> ()
    %add3A_51 = arith.constant 128 : i32
    %add3A_52 = arith.addi %mul3A_48, %add3A_51 : i32
    "tpu.region"() ({
      %run_scoped3A = tpu.sem_alloc : memref<!tpu.dma_semaphore, #tpu.memory_space<semaphore_mem>>
      %dma_start3A_481 = arith.constant 0 : i32
      %dma_start3A_482 = tpu.memref_slice %arg18[%add3A_52, %dma_start3A_481] : memref<10000x128xf32, #tpu.memory_space<vmem_shared>> -> memref<128x128xf32, #tpu.memory_space<vmem_shared>>
      %dma_start3A_483 = arith.constant 0 : i32
      %dma_start3A_484 = tpu.memref_slice %arg18[%add3A_52, %dma_start3A_483] : memref<10000x128xf32, #tpu.memory_space<vmem_shared>> -> memref<128x128xf32, #tpu.memory_space<vmem_shared>>
      tpu.enqueue_dma source(%arg11 : memref<128x128xf32, #tpu.memory_space<vmem>>) target(%dma_start3A_484 : memref<128x128xf32, #tpu.memory_space<vmem_shared>>) target_semaphore(%run_scoped3A : memref<!tpu.dma_semaphore, #tpu.memory_space<semaphore_mem>>)
      %dma_wait3A_485 = arith.constant 0 : i32
      %dma_wait3A_486 = tpu.memref_slice %arg18[%add3A_52, %dma_wait3A_485] : memref<10000x128xf32, #tpu.memory_space<vmem_shared>> -> memref<128x128xf32, #tpu.memory_space<vmem_shared>>
      %dma_wait3A_487 = arith.constant 0 : i32
      %dma_wait3A_488 = tpu.memref_slice %arg18[%add3A_52, %dma_wait3A_487] : memref<10000x128xf32, #tpu.memory_space<vmem_shared>> -> memref<128x128xf32, #tpu.memory_space<vmem_shared>>
      tpu.wait_dma2 semaphore(%run_scoped3A : memref<!tpu.dma_semaphore, #tpu.memory_space<semaphore_mem>>) src(%arg11 : memref<128x128xf32, #tpu.memory_space<vmem>>) dst(%dma_wait3A_488 : memref<128x128xf32, #tpu.memory_space<vmem_shared>>)
      tpu.yield
    }) : () -> ()
    %add3A_53 = arith.constant 256 : i32
    %add3A_54 = arith.addi %mul3A_48, %add3A_53 : i32
    "tpu.region"() ({
      %run_scoped3A = tpu.sem_alloc : memref<!tpu.dma_semaphore, #tpu.memory_space<semaphore_mem>>
      %dma_start3A_481 = arith.constant 0 : i32
      %dma_start3A_482 = tpu.memref_slice %arg18[%add3A_54, %dma_start3A_481] : memref<10000x128xf32, #tpu.memory_space<vmem_shared>> -> memref<128x128xf32, #tpu.memory_space<vmem_shared>>
      %dma_start3A_483 = arith.constant 0 : i32
      %dma_start3A_484 = tpu.memref_slice %arg18[%add3A_54, %dma_start3A_483] : memref<10000x128xf32, #tpu.memory_space<vmem_shared>> -> memref<128x128xf32, #tpu.memory_space<vmem_shared>>
      tpu.enqueue_dma source(%arg11 : memref<128x128xf32, #tpu.memory_space<vmem>>) target(%dma_start3A_484 : memref<128x128xf32, #tpu.memory_space<vmem_shared>>) target_semaphore(%run_scoped3A : memref<!tpu.dma_semaphore, #tpu.memory_space<semaphore_mem>>)
      %dma_wait3A_485 = arith.constant 0 : i32
      %dma_wait3A_486 = tpu.memref_slice %arg18[%add3A_54, %dma_wait3A_485] : memref<10000x128xf32, #tpu.memory_space<vmem_shared>> -> memref<128x128xf32, #tpu.memory_space<vmem_shared>>
      %dma_wait3A_487 = arith.constant 0 : i32
      %dma_wait3A_488 = tpu.memref_slice %arg18[%add3A_54, %dma_wait3A_487] : memref<10000x128xf32, #tpu.memory_space<vmem_shared>> -> memref<128x128xf32, #tpu.memory_space<vmem_shared>>
      tpu.wait_dma2 semaphore(%run_scoped3A : memref<!tpu.dma_semaphore, #tpu.memory_space<semaphore_mem>>) src(%arg11 : memref<128x128xf32, #tpu.memory_space<vmem>>) dst(%dma_wait3A_488 : memref<128x128xf32, #tpu.memory_space<vmem_shared>>)
      tpu.yield
    }) : () -> ()
    %add3A_55 = arith.constant 384 : i32
    %add3A_56 = arith.addi %mul3A_48, %add3A_55 : i32
    "tpu.region"() ({
      %run_scoped3A = tpu.sem_alloc : memref<!tpu.dma_semaphore, #tpu.memory_space<semaphore_mem>>
      %dma_start3A_481 = arith.constant 0 : i32
      %dma_start3A_482 = tpu.memref_slice %arg18[%add3A_56, %dma_start3A_481] : memref<10000x128xf32, #tpu.memory_space<vmem_shared>> -> memref<128x128xf32, #tpu.memory_space<vmem_shared>>
      %dma_start3A_483 = arith.constant 0 : i32
      %dma_start3A_484 = tpu.memref_slice %arg18[%add3A_56, %dma_start3A_483] : memref<10000x128xf32, #tpu.memory_space<vmem_shared>> -> memref<128x128xf32, #tpu.memory_space<vmem_shared>>
      tpu.enqueue_dma source(%arg11 : memref<128x128xf32, #tpu.memory_space<vmem>>) target(%dma_start3A_484 : memref<128x128xf32, #tpu.memory_space<vmem_shared>>) target_semaphore(%run_scoped3A : memref<!tpu.dma_semaphore, #tpu.memory_space<semaphore_mem>>)
      %dma_wait3A_485 = arith.constant 0 : i32
      %dma_wait3A_486 = tpu.memref_slice %arg18[%add3A_56, %dma_wait3A_485] : memref<10000x128xf32, #tpu.memory_space<vmem_shared>> -> memref<128x128xf32, #tpu.memory_space<vmem_shared>>
      %dma_wait3A_487 = arith.constant 0 : i32
      %dma_wait3A_488 = tpu.memref_slice %arg18[%add3A_56, %dma_wait3A_487] : memref<10000x128xf32, #tpu.memory_space<vmem_shared>> -> memref<128x128xf32, #tpu.memory_space<vmem_shared>>
      tpu.wait_dma2 semaphore(%run_scoped3A : memref<!tpu.dma_semaphore, #tpu.memory_space<semaphore_mem>>) src(%arg11 : memref<128x128xf32, #tpu.memory_space<vmem>>) dst(%dma_wait3A_488 : memref<128x128xf32, #tpu.memory_space<vmem_shared>>)
      tpu.yield
    }) : () -> ()
    %add3A_57 = arith.constant 512 : i32
    %add3A_58 = arith.addi %mul3A_48, %add3A_57 : i32
    "tpu.region"() ({
      %run_scoped3A = tpu.sem_alloc : memref<!tpu.dma_semaphore, #tpu.memory_space<semaphore_mem>>
      %dma_start3A_481 = arith.constant 0 : i32
      %dma_start3A_482 = arith.constant 0 : i32
      %dma_start3A_483 = tpu.memref_slice %arg11[%dma_start3A_481, %dma_start3A_482] : memref<128x128xf32, #tpu.memory_space<vmem>> -> memref<112x128xf32, #tpu.memory_space<vmem>>
      %dma_start3A_484 = arith.constant 0 : i32
      %dma_start3A_485 = tpu.memref_slice %arg18[%add3A_58, %dma_start3A_484] : memref<10000x128xf32, #tpu.memory_space<vmem_shared>> -> memref<112x128xf32, #tpu.memory_space<vmem_shared>>
      %dma_start3A_486 = arith.constant 0 : i32
      %dma_start3A_487 = tpu.memref_slice %arg18[%add3A_58, %dma_start3A_486] : memref<10000x128xf32, #tpu.memory_space<vmem_shared>> -> memref<112x128xf32, #tpu.memory_space<vmem_shared>>
      %dma_start3A_488 = arith.constant 0 : i32
      %dma_start3A_489 = arith.constant 0 : i32
      %dma_start3A_490 = tpu.memref_slice %arg11[%dma_start3A_488, %dma_start3A_489] : memref<128x128xf32, #tpu.memory_space<vmem>> -> memref<112x128xf32, #tpu.memory_space<vmem>>
      tpu.enqueue_dma source(%dma_start3A_490 : memref<112x128xf32, #tpu.memory_space<vmem>>) target(%dma_start3A_487 : memref<112x128xf32, #tpu.memory_space<vmem_shared>>) target_semaphore(%run_scoped3A : memref<!tpu.dma_semaphore, #tpu.memory_space<semaphore_mem>>)
      %dma_wait3A_491 = arith.constant 0 : i32
      %dma_wait3A_492 = arith.constant 0 : i32
      %dma_wait3A_493 = tpu.memref_slice %arg11[%dma_wait3A_491, %dma_wait3A_492] : memref<128x128xf32, #tpu.memory_space<vmem>> -> memref<112x128xf32, #tpu.memory_space<vmem>>
      %dma_wait3A_494 = arith.constant 0 : i32
      %dma_wait3A_495 = tpu.memref_slice %arg18[%add3A_58, %dma_wait3A_494] : memref<10000x128xf32, #tpu.memory_space<vmem_shared>> -> memref<112x128xf32, #tpu.memory_space<vmem_shared>>
      %dma_wait3A_496 = arith.constant 0 : i32
      %dma_wait3A_497 = tpu.memref_slice %arg18[%add3A_58, %dma_wait3A_496] : memref<10000x128xf32, #tpu.memory_space<vmem_shared>> -> memref<112x128xf32, #tpu.memory_space<vmem_shared>>
      %dma_wait3A_498 = arith.constant 0 : i32
      %dma_wait3A_499 = arith.constant 0 : i32
      %dma_wait3A_500 = tpu.memref_slice %arg11[%dma_wait3A_498, %dma_wait3A_499] : memref<128x128xf32, #tpu.memory_space<vmem>> -> memref<112x128xf32, #tpu.memory_space<vmem>>
      tpu.wait_dma2 semaphore(%run_scoped3A : memref<!tpu.dma_semaphore, #tpu.memory_space<semaphore_mem>>) src(%dma_wait3A_500 : memref<112x128xf32, #tpu.memory_space<vmem>>) dst(%dma_wait3A_497 : memref<112x128xf32, #tpu.memory_space<vmem_shared>>)
      tpu.yield
    }) : () -> ()
    %eq3A = arith.constant 0 : i32
    %eq3A_59 = arith.cmpi eq, %arg1, %eq3A : i32
    %convert_element_type3A = arith.extui %eq3A_59 : i1 to i32
    %cond3A = arith.constant 0 : i32
    %cond3A_60 = arith.cmpi ne, %convert_element_type3A, %cond3A : i32
    scf.if %cond3A_60 {
      "tpu.region"() ({
        %run_scoped3A = tpu.sem_alloc : memref<!tpu.dma_semaphore, #tpu.memory_space<semaphore_mem>>
        %dma_start3A_481 = arith.constant 0 : i32
        %dma_start3A_482 = arith.constant 0 : i32
        %dma_start3A_483 = tpu.memref_slice %arg11[%dma_start3A_481, %dma_start3A_482] : memref<128x128xf32, #tpu.memory_space<vmem>> -> memref<16x128xf32, #tpu.memory_space<vmem>>
        %dma_start3A_484 = arith.constant 9984 : i32
        %dma_start3A_485 = arith.constant 0 : i32
        %dma_start3A_486 = tpu.memref_slice %arg18[%dma_start3A_484, %dma_start3A_485] : memref<10000x128xf32, #tpu.memory_space<vmem_shared>> -> memref<16x128xf32, #tpu.memory_space<vmem_shared>>
        %dma_start3A_487 = arith.constant 9984 : i32
        %dma_start3A_488 = arith.constant 0 : i32
        %dma_start3A_489 = tpu.memref_slice %arg18[%dma_start3A_487, %dma_start3A_488] : memref<10000x128xf32, #tpu.memory_space<vmem_shared>> -> memref<16x128xf32, #tpu.memory_space<vmem_shared>>
        %dma_start3A_490 = arith.constant 0 : i32
        %dma_start3A_491 = arith.constant 0 : i32
        %dma_start3A_492 = tpu.memref_slice %arg11[%dma_start3A_490, %dma_start3A_491] : memref<128x128xf32, #tpu.memory_space<vmem>> -> memref<16x128xf32, #tpu.memory_space<vmem>>
        tpu.enqueue_dma source(%dma_start3A_492 : memref<16x128xf32, #tpu.memory_space<vmem>>) target(%dma_start3A_489 : memref<16x128xf32, #tpu.memory_space<vmem_shared>>) target_semaphore(%run_scoped3A : memref<!tpu.dma_semaphore, #tpu.memory_space<semaphore_mem>>)
        %dma_wait3A_493 = arith.constant 0 : i32
        %dma_wait3A_494 = arith.constant 0 : i32
        %dma_wait3A_495 = tpu.memref_slice %arg11[%dma_wait3A_493, %dma_wait3A_494] : memref<128x128xf32, #tpu.memory_space<vmem>> -> memref<16x128xf32, #tpu.memory_space<vmem>>
        %dma_wait3A_496 = arith.constant 9984 : i32
        %dma_wait3A_497 = arith.constant 0 : i32
        %dma_wait3A_498 = tpu.memref_slice %arg18[%dma_wait3A_496, %dma_wait3A_497] : memref<10000x128xf32, #tpu.memory_space<vmem_shared>> -> memref<16x128xf32, #tpu.memory_space<vmem_shared>>
        %dma_wait3A_499 = arith.constant 9984 : i32
        %dma_wait3A_500 = arith.constant 0 : i32
        %dma_wait3A_501 = tpu.memref_slice %arg18[%dma_wait3A_499, %dma_wait3A_500] : memref<10000x128xf32, #tpu.memory_space<vmem_shared>> -> memref<16x128xf32, #tpu.memory_space<vmem_shared>>
        %dma_wait3A_502 = arith.constant 0 : i32
        %dma_wait3A_503 = arith.constant 0 : i32
        %dma_wait3A_504 = tpu.memref_slice %arg11[%dma_wait3A_502, %dma_wait3A_503] : memref<128x128xf32, #tpu.memory_space<vmem>> -> memref<16x128xf32, #tpu.memory_space<vmem>>
        tpu.wait_dma2 semaphore(%run_scoped3A : memref<!tpu.dma_semaphore, #tpu.memory_space<semaphore_mem>>) src(%dma_wait3A_504 : memref<16x128xf32, #tpu.memory_space<vmem>>) dst(%dma_wait3A_501 : memref<16x128xf32, #tpu.memory_space<vmem_shared>>)
        tpu.yield
      }) : () -> ()
    } else {
    }
    %barrier3A = arith.constant 0 : index
    tpu.barrier barrier_id(%barrier3A)
    %add3A_61 = arith.constant 128 : i32
    %add3A_62 = arith.addi %mul3A_4, %add3A_61 : i32
    %dma_wait3A_63 = arith.constant 0 : i32
    %dma_wait3A_64 = tpu.memref_slice %arg3[%dma_wait3A_63, %add3A_62] : memref<2x320000xi32, #tpu.memory_space<hbm>> -> memref<2x128xi32, #tpu.memory_space<hbm>>
    %dma_wait3A_65 = arith.constant 0 : i32
    %dma_wait3A_66 = tpu.memref_slice %arg3[%dma_wait3A_65, %add3A_62] : memref<2x320000xi32, #tpu.memory_space<hbm>> -> memref<2x128xi32, #tpu.memory_space<hbm>>
    tpu.wait_dma2 semaphore(%arg13 : memref<!tpu.dma_semaphore, #tpu.memory_space<semaphore_mem>>) src(%dma_wait3A_66 : memref<2x128xi32, #tpu.memory_space<hbm>>) dst(%arg7 : memref<2x128xi32, #tpu.memory_space<vmem>>)
    %dma_start3A_67 = arith.constant 0 : i32
    %dma_start3A_68 = arith.constant 0 : i32
    %dma_start3A_69 = tpu.memref_slice %arg7[%dma_start3A_67, %dma_start3A_68] : memref<2x128xi32, #tpu.memory_space<vmem>> -> memref<1x128xi32, #tpu.memory_space<vmem>>
    %dma_start3A_70 = tpu.memref_squeeze %dma_start3A_69 : memref<1x128xi32, #tpu.memory_space<vmem>> -> memref<128xi32, #tpu.memory_space<vmem>>
    %dma_start3A_71 = arith.constant 0 : i32
    %dma_start3A_72 = arith.constant 0 : i32
    %dma_start3A_73 = tpu.memref_slice %arg2[%dma_start3A_71, %dma_start3A_72] : memref<10000x128xf32, #tpu.memory_space<hbm>> -> memref<10000x128xf32, #tpu.memory_space<hbm>>
    tpu.enqueue_indirect_dma source(%dma_start3A_73 : memref<10000x128xf32, #tpu.memory_space<hbm>>) target(%arg11 : memref<128x128xf32, #tpu.memory_space<vmem>>) offsets(%dma_start3A_70 : memref<128xi32, #tpu.memory_space<vmem>>) semaphore(%arg17 : memref<!tpu.dma_semaphore, #tpu.memory_space<semaphore_mem>>)
    %dma_wait3A_74 = arith.constant 0 : i32
    %dma_wait3A_75 = arith.constant 0 : i32
    %dma_wait3A_76 = tpu.memref_slice %arg6[%dma_wait3A_74, %dma_wait3A_75] : memref<2x128xi32, #tpu.memory_space<vmem>> -> memref<1x128xi32, #tpu.memory_space<vmem>>
    %dma_wait3A_77 = tpu.memref_squeeze %dma_wait3A_76 : memref<1x128xi32, #tpu.memory_space<vmem>> -> memref<128xi32, #tpu.memory_space<vmem>>
    %dma_wait3A_78 = arith.constant 0 : i32
    %dma_wait3A_79 = arith.constant 0 : i32
    %dma_wait3A_80 = tpu.memref_slice %arg2[%dma_wait3A_78, %dma_wait3A_79] : memref<10000x128xf32, #tpu.memory_space<hbm>> -> memref<10000x128xf32, #tpu.memory_space<hbm>>
    tpu.wait_indirect_dma semaphore(%arg16 : memref<!tpu.dma_semaphore, #tpu.memory_space<semaphore_mem>>) src(%dma_wait3A_80 : memref<10000x128xf32, #tpu.memory_space<hbm>>) dst(%arg10 : memref<128x128xf32, #tpu.memory_space<vmem>>)
    %dma_start3A_81 = arith.constant 1 : i32
    %dma_start3A_82 = arith.constant 0 : i32
    %dma_start3A_83 = tpu.memref_slice %arg6[%dma_start3A_81, %dma_start3A_82] : memref<2x128xi32, #tpu.memory_space<vmem>> -> memref<1x128xi32, #tpu.memory_space<vmem>>
    %dma_start3A_84 = tpu.memref_squeeze %dma_start3A_83 : memref<1x128xi32, #tpu.memory_space<vmem>> -> memref<128xi32, #tpu.memory_space<vmem>>
    %dma_start3A_85 = arith.constant 0 : i32
    %dma_start3A_86 = arith.constant 0 : i32
    %dma_start3A_87 = tpu.memref_slice %arg18[%dma_start3A_85, %dma_start3A_86] : memref<10000x128xf32, #tpu.memory_space<vmem_shared>> -> memref<10000x128xf32, #tpu.memory_space<vmem_shared>>
    tpu.enqueue_indirect_dma source(%arg10 : memref<128x128xf32, #tpu.memory_space<vmem>>) target(%dma_start3A_87 : memref<10000x128xf32, #tpu.memory_space<vmem_shared>>) offsets(%dma_start3A_84 : memref<128xi32, #tpu.memory_space<vmem>>) semaphore(%arg16 : memref<!tpu.dma_semaphore, #tpu.memory_space<semaphore_mem>>) {add = true}
    %add3A_88 = arith.constant 256 : i32
    %add3A_89 = arith.addi %mul3A_4, %add3A_88 : i32
    %dma_wait3A_90 = arith.constant 0 : i32
    %dma_wait3A_91 = tpu.memref_slice %arg3[%dma_wait3A_90, %add3A_89] : memref<2x320000xi32, #tpu.memory_space<hbm>> -> memref<2x128xi32, #tpu.memory_space<hbm>>
    %dma_wait3A_92 = arith.constant 0 : i32
    %dma_wait3A_93 = tpu.memref_slice %arg3[%dma_wait3A_92, %add3A_89] : memref<2x320000xi32, #tpu.memory_space<hbm>> -> memref<2x128xi32, #tpu.memory_space<hbm>>
    tpu.wait_dma2 semaphore(%arg14 : memref<!tpu.dma_semaphore, #tpu.memory_space<semaphore_mem>>) src(%dma_wait3A_93 : memref<2x128xi32, #tpu.memory_space<hbm>>) dst(%arg8 : memref<2x128xi32, #tpu.memory_space<vmem>>)
    %dma_wait3A_94 = arith.constant 1 : i32
    %dma_wait3A_95 = arith.constant 0 : i32
    %dma_wait3A_96 = tpu.memref_slice %arg6[%dma_wait3A_94, %dma_wait3A_95] : memref<2x128xi32, #tpu.memory_space<vmem>> -> memref<1x128xi32, #tpu.memory_space<vmem>>
    %dma_wait3A_97 = tpu.memref_squeeze %dma_wait3A_96 : memref<1x128xi32, #tpu.memory_space<vmem>> -> memref<128xi32, #tpu.memory_space<vmem>>
    %dma_wait3A_98 = arith.constant 0 : i32
    %dma_wait3A_99 = arith.constant 0 : i32
    %dma_wait3A_100 = tpu.memref_slice %arg18[%dma_wait3A_98, %dma_wait3A_99] : memref<10000x128xf32, #tpu.memory_space<vmem_shared>> -> memref<10000x128xf32, #tpu.memory_space<vmem_shared>>
    tpu.wait_indirect_dma semaphore(%arg16 : memref<!tpu.dma_semaphore, #tpu.memory_space<semaphore_mem>>) src(%arg10 : memref<128x128xf32, #tpu.memory_space<vmem>>) dst(%dma_wait3A_100 : memref<10000x128xf32, #tpu.memory_space<vmem_shared>>)
    %dma_start3A_101 = arith.constant 0 : i32
    %dma_start3A_102 = arith.constant 0 : i32
    %dma_start3A_103 = tpu.memref_slice %arg8[%dma_start3A_101, %dma_start3A_102] : memref<2x128xi32, #tpu.memory_space<vmem>> -> memref<1x128xi32, #tpu.memory_space<vmem>>
    %dma_start3A_104 = tpu.memref_squeeze %dma_start3A_103 : memref<1x128xi32, #tpu.memory_space<vmem>> -> memref<128xi32, #tpu.memory_space<vmem>>
    %dma_start3A_105 = arith.constant 0 : i32
    %dma_start3A_106 = arith.constant 0 : i32
    %dma_start3A_107 = tpu.memref_slice %arg2[%dma_start3A_105, %dma_start3A_106] : memref<10000x128xf32, #tpu.memory_space<hbm>> -> memref<10000x128xf32, #tpu.memory_space<hbm>>
    tpu.enqueue_indirect_dma source(%dma_start3A_107 : memref<10000x128xf32, #tpu.memory_space<hbm>>) target(%arg10 : memref<128x128xf32, #tpu.memory_space<vmem>>) offsets(%dma_start3A_104 : memref<128xi32, #tpu.memory_space<vmem>>) semaphore(%arg16 : memref<!tpu.dma_semaphore, #tpu.memory_space<semaphore_mem>>)
    %add3A_108 = arith.constant 512 : i32
    %add3A_109 = arith.addi %mul3A_4, %add3A_108 : i32
    %dma_start3A_110 = arith.constant 0 : i32
    %dma_start3A_111 = tpu.memref_slice %arg3[%dma_start3A_110, %add3A_109] : memref<2x320000xi32, #tpu.memory_space<hbm>> -> memref<2x128xi32, #tpu.memory_space<hbm>>
    %dma_start3A_112 = arith.constant 0 : i32
    %dma_start3A_113 = tpu.memref_slice %arg3[%dma_start3A_112, %add3A_109] : memref<2x320000xi32, #tpu.memory_space<hbm>> -> memref<2x128xi32, #tpu.memory_space<hbm>>
    tpu.enqueue_dma source(%dma_start3A_113 : memref<2x128xi32, #tpu.memory_space<hbm>>) target(%arg6 : memref<2x128xi32, #tpu.memory_space<vmem>>) target_semaphore(%arg12 : memref<!tpu.dma_semaphore, #tpu.memory_space<semaphore_mem>>)
    %dma_wait3A_114 = arith.constant 0 : i32
    %dma_wait3A_115 = arith.constant 0 : i32
    %dma_wait3A_116 = tpu.memref_slice %arg7[%dma_wait3A_114, %dma_wait3A_115] : memref<2x128xi32, #tpu.memory_space<vmem>> -> memref<1x128xi32, #tpu.memory_space<vmem>>
    %dma_wait3A_117 = tpu.memref_squeeze %dma_wait3A_116 : memref<1x128xi32, #tpu.memory_space<vmem>> -> memref<128xi32, #tpu.memory_space<vmem>>
    %dma_wait3A_118 = arith.constant 0 : i32
    %dma_wait3A_119 = arith.constant 0 : i32
    %dma_wait3A_120 = tpu.memref_slice %arg2[%dma_wait3A_118, %dma_wait3A_119] : memref<10000x128xf32, #tpu.memory_space<hbm>> -> memref<10000x128xf32, #tpu.memory_space<hbm>>
    tpu.wait_indirect_dma semaphore(%arg17 : memref<!tpu.dma_semaphore, #tpu.memory_space<semaphore_mem>>) src(%dma_wait3A_120 : memref<10000x128xf32, #tpu.memory_space<hbm>>) dst(%arg11 : memref<128x128xf32, #tpu.memory_space<vmem>>)
    %dma_start3A_121 = arith.constant 1 : i32
    %dma_start3A_122 = arith.constant 0 : i32
    %dma_start3A_123 = tpu.memref_slice %arg7[%dma_start3A_121, %dma_start3A_122] : memref<2x128xi32, #tpu.memory_space<vmem>> -> memref<1x128xi32, #tpu.memory_space<vmem>>
    %dma_start3A_124 = tpu.memref_squeeze %dma_start3A_123 : memref<1x128xi32, #tpu.memory_space<vmem>> -> memref<128xi32, #tpu.memory_space<vmem>>
    %dma_start3A_125 = arith.constant 0 : i32
    %dma_start3A_126 = arith.constant 0 : i32
    %dma_start3A_127 = tpu.memref_slice %arg18[%dma_start3A_125, %dma_start3A_126] : memref<10000x128xf32, #tpu.memory_space<vmem_shared>> -> memref<10000x128xf32, #tpu.memory_space<vmem_shared>>
    tpu.enqueue_indirect_dma source(%arg11 : memref<128x128xf32, #tpu.memory_space<vmem>>) target(%dma_start3A_127 : memref<10000x128xf32, #tpu.memory_space<vmem_shared>>) offsets(%dma_start3A_124 : memref<128xi32, #tpu.memory_space<vmem>>) semaphore(%arg17 : memref<!tpu.dma_semaphore, #tpu.memory_space<semaphore_mem>>) {add = true}
    %add3A_128 = arith.constant 384 : i32
    %add3A_129 = arith.addi %mul3A_4, %add3A_128 : i32
    %dma_wait3A_130 = arith.constant 0 : i32
    %dma_wait3A_131 = tpu.memref_slice %arg3[%dma_wait3A_130, %add3A_129] : memref<2x320000xi32, #tpu.memory_space<hbm>> -> memref<2x128xi32, #tpu.memory_space<hbm>>
    %dma_wait3A_132 = arith.constant 0 : i32
    %dma_wait3A_133 = tpu.memref_slice %arg3[%dma_wait3A_132, %add3A_129] : memref<2x320000xi32, #tpu.memory_space<hbm>> -> memref<2x128xi32, #tpu.memory_space<hbm>>
    tpu.wait_dma2 semaphore(%arg15 : memref<!tpu.dma_semaphore, #tpu.memory_space<semaphore_mem>>) src(%dma_wait3A_133 : memref<2x128xi32, #tpu.memory_space<hbm>>) dst(%arg9 : memref<2x128xi32, #tpu.memory_space<vmem>>)
    %dma_wait3A_134 = arith.constant 1 : i32
    %dma_wait3A_135 = arith.constant 0 : i32
    %dma_wait3A_136 = tpu.memref_slice %arg7[%dma_wait3A_134, %dma_wait3A_135] : memref<2x128xi32, #tpu.memory_space<vmem>> -> memref<1x128xi32, #tpu.memory_space<vmem>>
    %dma_wait3A_137 = tpu.memref_squeeze %dma_wait3A_136 : memref<1x128xi32, #tpu.memory_space<vmem>> -> memref<128xi32, #tpu.memory_space<vmem>>
    %dma_wait3A_138 = arith.constant 0 : i32
    %dma_wait3A_139 = arith.constant 0 : i32
    %dma_wait3A_140 = tpu.memref_slice %arg18[%dma_wait3A_138, %dma_wait3A_139] : memref<10000x128xf32, #tpu.memory_space<vmem_shared>> -> memref<10000x128xf32, #tpu.memory_space<vmem_shared>>
    tpu.wait_indirect_dma semaphore(%arg17 : memref<!tpu.dma_semaphore, #tpu.memory_space<semaphore_mem>>) src(%arg11 : memref<128x128xf32, #tpu.memory_space<vmem>>) dst(%dma_wait3A_140 : memref<10000x128xf32, #tpu.memory_space<vmem_shared>>)
    %dma_start3A_141 = arith.constant 0 : i32
    %dma_start3A_142 = arith.constant 0 : i32
    %dma_start3A_143 = tpu.memref_slice %arg9[%dma_start3A_141, %dma_start3A_142] : memref<2x128xi32, #tpu.memory_space<vmem>> -> memref<1x128xi32, #tpu.memory_space<vmem>>
    %dma_start3A_144 = tpu.memref_squeeze %dma_start3A_143 : memref<1x128xi32, #tpu.memory_space<vmem>> -> memref<128xi32, #tpu.memory_space<vmem>>
    %dma_start3A_145 = arith.constant 0 : i32
    %dma_start3A_146 = arith.constant 0 : i32
    %dma_start3A_147 = tpu.memref_slice %arg2[%dma_start3A_145, %dma_start3A_146] : memref<10000x128xf32, #tpu.memory_space<hbm>> -> memref<10000x128xf32, #tpu.memory_space<hbm>>
    tpu.enqueue_indirect_dma source(%dma_start3A_147 : memref<10000x128xf32, #tpu.memory_space<hbm>>) target(%arg11 : memref<128x128xf32, #tpu.memory_space<vmem>>) offsets(%dma_start3A_144 : memref<128xi32, #tpu.memory_space<vmem>>) semaphore(%arg17 : memref<!tpu.dma_semaphore, #tpu.memory_space<semaphore_mem>>)
    %add3A_148 = arith.constant 640 : i32
    %add3A_149 = arith.addi %mul3A_4, %add3A_148 : i32
    %dma_start3A_150 = arith.constant 0 : i32
    %dma_start3A_151 = tpu.memref_slice %arg3[%dma_start3A_150, %add3A_149] : memref<2x320000xi32, #tpu.memory_space<hbm>> -> memref<2x128xi32, #tpu.memory_space<hbm>>
    %dma_start3A_152 = arith.constant 0 : i32
    %dma_start3A_153 = tpu.memref_slice %arg3[%dma_start3A_152, %add3A_149] : memref<2x320000xi32, #tpu.memory_space<hbm>> -> memref<2x128xi32, #tpu.memory_space<hbm>>
    tpu.enqueue_dma source(%dma_start3A_153 : memref<2x128xi32, #tpu.memory_space<hbm>>) target(%arg7 : memref<2x128xi32, #tpu.memory_space<vmem>>) target_semaphore(%arg13 : memref<!tpu.dma_semaphore, #tpu.memory_space<semaphore_mem>>)
    %dma_wait3A_154 = arith.constant 0 : i32
    %dma_wait3A_155 = arith.constant 0 : i32
    %dma_wait3A_156 = tpu.memref_slice %arg8[%dma_wait3A_154, %dma_wait3A_155] : memref<2x128xi32, #tpu.memory_space<vmem>> -> memref<1x128xi32, #tpu.memory_space<vmem>>
    %dma_wait3A_157 = tpu.memref_squeeze %dma_wait3A_156 : memref<1x128xi32, #tpu.memory_space<vmem>> -> memref<128xi32, #tpu.memory_space<vmem>>
    %dma_wait3A_158 = arith.constant 0 : i32
    %dma_wait3A_159 = arith.constant 0 : i32
    %dma_wait3A_160 = tpu.memref_slice %arg2[%dma_wait3A_158, %dma_wait3A_159] : memref<10000x128xf32, #tpu.memory_space<hbm>> -> memref<10000x128xf32, #tpu.memory_space<hbm>>
    tpu.wait_indirect_dma semaphore(%arg16 : memref<!tpu.dma_semaphore, #tpu.memory_space<semaphore_mem>>) src(%dma_wait3A_160 : memref<10000x128xf32, #tpu.memory_space<hbm>>) dst(%arg10 : memref<128x128xf32, #tpu.memory_space<vmem>>)
    %dma_start3A_161 = arith.constant 1 : i32
    %dma_start3A_162 = arith.constant 0 : i32
    %dma_start3A_163 = tpu.memref_slice %arg8[%dma_start3A_161, %dma_start3A_162] : memref<2x128xi32, #tpu.memory_space<vmem>> -> memref<1x128xi32, #tpu.memory_space<vmem>>
    %dma_start3A_164 = tpu.memref_squeeze %dma_start3A_163 : memref<1x128xi32, #tpu.memory_space<vmem>> -> memref<128xi32, #tpu.memory_space<vmem>>
    %dma_start3A_165 = arith.constant 0 : i32
    %dma_start3A_166 = arith.constant 0 : i32
    %dma_start3A_167 = tpu.memref_slice %arg18[%dma_start3A_165, %dma_start3A_166] : memref<10000x128xf32, #tpu.memory_space<vmem_shared>> -> memref<10000x128xf32, #tpu.memory_space<vmem_shared>>
    tpu.enqueue_indirect_dma source(%arg10 : memref<128x128xf32, #tpu.memory_space<vmem>>) target(%dma_start3A_167 : memref<10000x128xf32, #tpu.memory_space<vmem_shared>>) offsets(%dma_start3A_164 : memref<128xi32, #tpu.memory_space<vmem>>) semaphore(%arg16 : memref<!tpu.dma_semaphore, #tpu.memory_space<semaphore_mem>>) {add = true}
    %add3A_168 = arith.constant 512 : i32
    %add3A_169 = arith.addi %mul3A_4, %add3A_168 : i32
    %dma_wait3A_170 = arith.constant 0 : i32
    %dma_wait3A_171 = tpu.memref_slice %arg3[%dma_wait3A_170, %add3A_169] : memref<2x320000xi32, #tpu.memory_space<hbm>> -> memref<2x128xi32, #tpu.memory_space<hbm>>
    %dma_wait3A_172 = arith.constant 0 : i32
    %dma_wait3A_173 = tpu.memref_slice %arg3[%dma_wait3A_172, %add3A_169] : memref<2x320000xi32, #tpu.memory_space<hbm>> -> memref<2x128xi32, #tpu.memory_space<hbm>>
    tpu.wait_dma2 semaphore(%arg12 : memref<!tpu.dma_semaphore, #tpu.memory_space<semaphore_mem>>) src(%dma_wait3A_173 : memref<2x128xi32, #tpu.memory_space<hbm>>) dst(%arg6 : memref<2x128xi32, #tpu.memory_space<vmem>>)
    %dma_wait3A_174 = arith.constant 1 : i32
    %dma_wait3A_175 = arith.constant 0 : i32
    %dma_wait3A_176 = tpu.memref_slice %arg8[%dma_wait3A_174, %dma_wait3A_175] : memref<2x128xi32, #tpu.memory_space<vmem>> -> memref<1x128xi32, #tpu.memory_space<vmem>>
    %dma_wait3A_177 = tpu.memref_squeeze %dma_wait3A_176 : memref<1x128xi32, #tpu.memory_space<vmem>> -> memref<128xi32, #tpu.memory_space<vmem>>
    %dma_wait3A_178 = arith.constant 0 : i32
    %dma_wait3A_179 = arith.constant 0 : i32
    %dma_wait3A_180 = tpu.memref_slice %arg18[%dma_wait3A_178, %dma_wait3A_179] : memref<10000x128xf32, #tpu.memory_space<vmem_shared>> -> memref<10000x128xf32, #tpu.memory_space<vmem_shared>>
    tpu.wait_indirect_dma semaphore(%arg16 : memref<!tpu.dma_semaphore, #tpu.memory_space<semaphore_mem>>) src(%arg10 : memref<128x128xf32, #tpu.memory_space<vmem>>) dst(%dma_wait3A_180 : memref<10000x128xf32, #tpu.memory_space<vmem_shared>>)
    %dma_start3A_181 = arith.constant 0 : i32
    %dma_start3A_182 = arith.constant 0 : i32
    %dma_start3A_183 = tpu.memref_slice %arg6[%dma_start3A_181, %dma_start3A_182] : memref<2x128xi32, #tpu.memory_space<vmem>> -> memref<1x128xi32, #tpu.memory_space<vmem>>
    %dma_start3A_184 = tpu.memref_squeeze %dma_start3A_183 : memref<1x128xi32, #tpu.memory_space<vmem>> -> memref<128xi32, #tpu.memory_space<vmem>>
    %dma_start3A_185 = arith.constant 0 : i32
    %dma_start3A_186 = arith.constant 0 : i32
    %dma_start3A_187 = tpu.memref_slice %arg2[%dma_start3A_185, %dma_start3A_186] : memref<10000x128xf32, #tpu.memory_space<hbm>> -> memref<10000x128xf32, #tpu.memory_space<hbm>>
    tpu.enqueue_indirect_dma source(%dma_start3A_187 : memref<10000x128xf32, #tpu.memory_space<hbm>>) target(%arg10 : memref<128x128xf32, #tpu.memory_space<vmem>>) offsets(%dma_start3A_184 : memref<128xi32, #tpu.memory_space<vmem>>) semaphore(%arg16 : memref<!tpu.dma_semaphore, #tpu.memory_space<semaphore_mem>>)
    %add3A_188 = arith.constant 768 : i32
    %add3A_189 = arith.addi %mul3A_4, %add3A_188 : i32
    %dma_start3A_190 = arith.constant 0 : i32
    %dma_start3A_191 = tpu.memref_slice %arg3[%dma_start3A_190, %add3A_189] : memref<2x320000xi32, #tpu.memory_space<hbm>> -> memref<2x128xi32, #tpu.memory_space<hbm>>
    %dma_start3A_192 = arith.constant 0 : i32
    %dma_start3A_193 = tpu.memref_slice %arg3[%dma_start3A_192, %add3A_189] : memref<2x320000xi32, #tpu.memory_space<hbm>> -> memref<2x128xi32, #tpu.memory_space<hbm>>
    tpu.enqueue_dma source(%dma_start3A_193 : memref<2x128xi32, #tpu.memory_space<hbm>>) target(%arg8 : memref<2x128xi32, #tpu.memory_space<vmem>>) target_semaphore(%arg14 : memref<!tpu.dma_semaphore, #tpu.memory_space<semaphore_mem>>)
    %dma_wait3A_194 = arith.constant 0 : i32
    %dma_wait3A_195 = arith.constant 0 : i32
    %dma_wait3A_196 = tpu.memref_slice %arg9[%dma_wait3A_194, %dma_wait3A_195] : memref<2x128xi32, #tpu.memory_space<vmem>> -> memref<1x128xi32, #tpu.memory_space<vmem>>
    %dma_wait3A_197 = tpu.memref_squeeze %dma_wait3A_196 : memref<1x128xi32, #tpu.memory_space<vmem>> -> memref<128xi32, #tpu.memory_space<vmem>>
    %dma_wait3A_198 = arith.constant 0 : i32
    %dma_wait3A_199 = arith.constant 0 : i32
    %dma_wait3A_200 = tpu.memref_slice %arg2[%dma_wait3A_198, %dma_wait3A_199] : memref<10000x128xf32, #tpu.memory_space<hbm>> -> memref<10000x128xf32, #tpu.memory_space<hbm>>
    tpu.wait_indirect_dma semaphore(%arg17 : memref<!tpu.dma_semaphore, #tpu.memory_space<semaphore_mem>>) src(%dma_wait3A_200 : memref<10000x128xf32, #tpu.memory_space<hbm>>) dst(%arg11 : memref<128x128xf32, #tpu.memory_space<vmem>>)
    %dma_start3A_201 = arith.constant 1 : i32
    %dma_start3A_202 = arith.constant 0 : i32
    %dma_start3A_203 = tpu.memref_slice %arg9[%dma_start3A_201, %dma_start3A_202] : memref<2x128xi32, #tpu.memory_space<vmem>> -> memref<1x128xi32, #tpu.memory_space<vmem>>
    %dma_start3A_204 = tpu.memref_squeeze %dma_start3A_203 : memref<1x128xi32, #tpu.memory_space<vmem>> -> memref<128xi32, #tpu.memory_space<vmem>>
    %dma_start3A_205 = arith.constant 0 : i32
    %dma_start3A_206 = arith.constant 0 : i32
    %dma_start3A_207 = tpu.memref_slice %arg18[%dma_start3A_205, %dma_start3A_206] : memref<10000x128xf32, #tpu.memory_space<vmem_shared>> -> memref<10000x128xf32, #tpu.memory_space<vmem_shared>>
    tpu.enqueue_indirect_dma source(%arg11 : memref<128x128xf32, #tpu.memory_space<vmem>>) target(%dma_start3A_207 : memref<10000x128xf32, #tpu.memory_space<vmem_shared>>) offsets(%dma_start3A_204 : memref<128xi32, #tpu.memory_space<vmem>>) semaphore(%arg17 : memref<!tpu.dma_semaphore, #tpu.memory_space<semaphore_mem>>) {add = true}
    %scan3A_208 = arith.constant 0 : i32
    %scan3A_209 = arith.constant 1 : i32
    %scan3A_210 = arith.constant 17 : i32
    %scan3A_211 = arith.addi %scan3A_209, %scan3A_210 : i32
    %scan3A_212 = arith.constant 1 : i32
    %scan3A_213 = scf.for %scan3A_481 = %scan3A_209 to %scan3A_211 step %scan3A_212 iter_args(%scan3A_482 = %scan3A_208) -> (i32)  : i32 {
      %mul3A_483 = arith.constant 4 : i32
      %mul3A_484 = arith.muli %mul3A_483, %scan3A_481 : i32
      %add3A_485 = arith.constant 0 : i32
      %add3A_486 = arith.addi %mul3A_484, %add3A_485 : i32
      %add3A_487 = arith.constant 1 : i32
      %add3A_488 = arith.addi %add3A_486, %add3A_487 : i32
      %mul3A_489 = arith.constant 128 : i32
      %mul3A_490 = arith.muli %add3A_488, %mul3A_489 : i32
      %add3A_491 = arith.addi %mul3A_4, %mul3A_490 : i32
      %dma_wait3A_492 = arith.constant 0 : i32
      %dma_wait3A_493 = tpu.memref_slice %arg3[%dma_wait3A_492, %add3A_491] : memref<2x320000xi32, #tpu.memory_space<hbm>> -> memref<2x128xi32, #tpu.memory_space<hbm>>
      %dma_wait3A_494 = arith.constant 0 : i32
      %dma_wait3A_495 = tpu.memref_slice %arg3[%dma_wait3A_494, %add3A_491] : memref<2x320000xi32, #tpu.memory_space<hbm>> -> memref<2x128xi32, #tpu.memory_space<hbm>>
      tpu.wait_dma2 semaphore(%arg13 : memref<!tpu.dma_semaphore, #tpu.memory_space<semaphore_mem>>) src(%dma_wait3A_495 : memref<2x128xi32, #tpu.memory_space<hbm>>) dst(%arg7 : memref<2x128xi32, #tpu.memory_space<vmem>>)
      %dma_wait3A_496 = arith.constant 1 : i32
      %dma_wait3A_497 = arith.constant 0 : i32
      %dma_wait3A_498 = tpu.memref_slice %arg9[%dma_wait3A_496, %dma_wait3A_497] : memref<2x128xi32, #tpu.memory_space<vmem>> -> memref<1x128xi32, #tpu.memory_space<vmem>>
      %dma_wait3A_499 = tpu.memref_squeeze %dma_wait3A_498 : memref<1x128xi32, #tpu.memory_space<vmem>> -> memref<128xi32, #tpu.memory_space<vmem>>
      %dma_wait3A_500 = arith.constant 0 : i32
      %dma_wait3A_501 = arith.constant 0 : i32
      %dma_wait3A_502 = tpu.memref_slice %arg18[%dma_wait3A_500, %dma_wait3A_501] : memref<10000x128xf32, #tpu.memory_space<vmem_shared>> -> memref<10000x128xf32, #tpu.memory_space<vmem_shared>>
      tpu.wait_indirect_dma semaphore(%arg17 : memref<!tpu.dma_semaphore, #tpu.memory_space<semaphore_mem>>) src(%arg11 : memref<128x128xf32, #tpu.memory_space<vmem>>) dst(%dma_wait3A_502 : memref<10000x128xf32, #tpu.memory_space<vmem_shared>>)
      %dma_start3A_503 = arith.constant 0 : i32
      %dma_start3A_504 = arith.constant 0 : i32
      %dma_start3A_505 = tpu.memref_slice %arg7[%dma_start3A_503, %dma_start3A_504] : memref<2x128xi32, #tpu.memory_space<vmem>> -> memref<1x128xi32, #tpu.memory_space<vmem>>
      %dma_start3A_506 = tpu.memref_squeeze %dma_start3A_505 : memref<1x128xi32, #tpu.memory_space<vmem>> -> memref<128xi32, #tpu.memory_space<vmem>>
      %dma_start3A_507 = arith.constant 0 : i32
      %dma_start3A_508 = arith.constant 0 : i32
      %dma_start3A_509 = tpu.memref_slice %arg2[%dma_start3A_507, %dma_start3A_508] : memref<10000x128xf32, #tpu.memory_space<hbm>> -> memref<10000x128xf32, #tpu.memory_space<hbm>>
      tpu.enqueue_indirect_dma source(%dma_start3A_509 : memref<10000x128xf32, #tpu.memory_space<hbm>>) target(%arg11 : memref<128x128xf32, #tpu.memory_space<vmem>>) offsets(%dma_start3A_506 : memref<128xi32, #tpu.memory_space<vmem>>) semaphore(%arg17 : memref<!tpu.dma_semaphore, #tpu.memory_space<semaphore_mem>>)
      %add3A_510 = arith.constant 3 : i32
      %add3A_511 = arith.addi %add3A_486, %add3A_510 : i32
      %mul3A_512 = arith.constant 128 : i32
      %mul3A_513 = arith.muli %add3A_511, %mul3A_512 : i32
      %add3A_514 = arith.addi %mul3A_4, %mul3A_513 : i32
      %dma_start3A_515 = arith.constant 0 : i32
      %dma_start3A_516 = tpu.memref_slice %arg3[%dma_start3A_515, %add3A_514] : memref<2x320000xi32, #tpu.memory_space<hbm>> -> memref<2x128xi32, #tpu.memory_space<hbm>>
      %dma_start3A_517 = arith.constant 0 : i32
      %dma_start3A_518 = tpu.memref_slice %arg3[%dma_start3A_517, %add3A_514] : memref<2x320000xi32, #tpu.memory_space<hbm>> -> memref<2x128xi32, #tpu.memory_space<hbm>>
      tpu.enqueue_dma source(%dma_start3A_518 : memref<2x128xi32, #tpu.memory_space<hbm>>) target(%arg9 : memref<2x128xi32, #tpu.memory_space<vmem>>) target_semaphore(%arg15 : memref<!tpu.dma_semaphore, #tpu.memory_space<semaphore_mem>>)
      %dma_wait3A_519 = arith.constant 0 : i32
      %dma_wait3A_520 = arith.constant 0 : i32
      %dma_wait3A_521 = tpu.memref_slice %arg6[%dma_wait3A_519, %dma_wait3A_520] : memref<2x128xi32, #tpu.memory_space<vmem>> -> memref<1x128xi32, #tpu.memory_space<vmem>>
      %dma_wait3A_522 = tpu.memref_squeeze %dma_wait3A_521 : memref<1x128xi32, #tpu.memory_space<vmem>> -> memref<128xi32, #tpu.memory_space<vmem>>
      %dma_wait3A_523 = arith.constant 0 : i32
      %dma_wait3A_524 = arith.constant 0 : i32
      %dma_wait3A_525 = tpu.memref_slice %arg2[%dma_wait3A_523, %dma_wait3A_524] : memref<10000x128xf32, #tpu.memory_space<hbm>> -> memref<10000x128xf32, #tpu.memory_space<hbm>>
      tpu.wait_indirect_dma semaphore(%arg16 : memref<!tpu.dma_semaphore, #tpu.memory_space<semaphore_mem>>) src(%dma_wait3A_525 : memref<10000x128xf32, #tpu.memory_space<hbm>>) dst(%arg10 : memref<128x128xf32, #tpu.memory_space<vmem>>)
      %dma_start3A_526 = arith.constant 1 : i32
      %dma_start3A_527 = arith.constant 0 : i32
      %dma_start3A_528 = tpu.memref_slice %arg6[%dma_start3A_526, %dma_start3A_527] : memref<2x128xi32, #tpu.memory_space<vmem>> -> memref<1x128xi32, #tpu.memory_space<vmem>>
      %dma_start3A_529 = tpu.memref_squeeze %dma_start3A_528 : memref<1x128xi32, #tpu.memory_space<vmem>> -> memref<128xi32, #tpu.memory_space<vmem>>
      %dma_start3A_530 = arith.constant 0 : i32
      %dma_start3A_531 = arith.constant 0 : i32
      %dma_start3A_532 = tpu.memref_slice %arg18[%dma_start3A_530, %dma_start3A_531] : memref<10000x128xf32, #tpu.memory_space<vmem_shared>> -> memref<10000x128xf32, #tpu.memory_space<vmem_shared>>
      tpu.enqueue_indirect_dma source(%arg10 : memref<128x128xf32, #tpu.memory_space<vmem>>) target(%dma_start3A_532 : memref<10000x128xf32, #tpu.memory_space<vmem_shared>>) offsets(%dma_start3A_529 : memref<128xi32, #tpu.memory_space<vmem>>) semaphore(%arg16 : memref<!tpu.dma_semaphore, #tpu.memory_space<semaphore_mem>>) {add = true}
      %add3A_533 = arith.constant 1 : i32
      %add3A_534 = arith.addi %mul3A_484, %add3A_533 : i32
      %add3A_535 = arith.constant 1 : i32
      %add3A_536 = arith.addi %add3A_534, %add3A_535 : i32
      %mul3A_537 = arith.constant 128 : i32
      %mul3A_538 = arith.muli %add3A_536, %mul3A_537 : i32
      %add3A_539 = arith.addi %mul3A_4, %mul3A_538 : i32
      %dma_wait3A_540 = arith.constant 0 : i32
      %dma_wait3A_541 = tpu.memref_slice %arg3[%dma_wait3A_540, %add3A_539] : memref<2x320000xi32, #tpu.memory_space<hbm>> -> memref<2x128xi32, #tpu.memory_space<hbm>>
      %dma_wait3A_542 = arith.constant 0 : i32
      %dma_wait3A_543 = tpu.memref_slice %arg3[%dma_wait3A_542, %add3A_539] : memref<2x320000xi32, #tpu.memory_space<hbm>> -> memref<2x128xi32, #tpu.memory_space<hbm>>
      tpu.wait_dma2 semaphore(%arg14 : memref<!tpu.dma_semaphore, #tpu.memory_space<semaphore_mem>>) src(%dma_wait3A_543 : memref<2x128xi32, #tpu.memory_space<hbm>>) dst(%arg8 : memref<2x128xi32, #tpu.memory_space<vmem>>)
      %dma_wait3A_544 = arith.constant 1 : i32
      %dma_wait3A_545 = arith.constant 0 : i32
      %dma_wait3A_546 = tpu.memref_slice %arg6[%dma_wait3A_544, %dma_wait3A_545] : memref<2x128xi32, #tpu.memory_space<vmem>> -> memref<1x128xi32, #tpu.memory_space<vmem>>
      %dma_wait3A_547 = tpu.memref_squeeze %dma_wait3A_546 : memref<1x128xi32, #tpu.memory_space<vmem>> -> memref<128xi32, #tpu.memory_space<vmem>>
      %dma_wait3A_548 = arith.constant 0 : i32
      %dma_wait3A_549 = arith.constant 0 : i32
      %dma_wait3A_550 = tpu.memref_slice %arg18[%dma_wait3A_548, %dma_wait3A_549] : memref<10000x128xf32, #tpu.memory_space<vmem_shared>> -> memref<10000x128xf32, #tpu.memory_space<vmem_shared>>
      tpu.wait_indirect_dma semaphore(%arg16 : memref<!tpu.dma_semaphore, #tpu.memory_space<semaphore_mem>>) src(%arg10 : memref<128x128xf32, #tpu.memory_space<vmem>>) dst(%dma_wait3A_550 : memref<10000x128xf32, #tpu.memory_space<vmem_shared>>)
      %dma_start3A_551 = arith.constant 0 : i32
      %dma_start3A_552 = arith.constant 0 : i32
      %dma_start3A_553 = tpu.memref_slice %arg8[%dma_start3A_551, %dma_start3A_552] : memref<2x128xi32, #tpu.memory_space<vmem>> -> memref<1x128xi32, #tpu.memory_space<vmem>>
      %dma_start3A_554 = tpu.memref_squeeze %dma_start3A_553 : memref<1x128xi32, #tpu.memory_space<vmem>> -> memref<128xi32, #tpu.memory_space<vmem>>
      %dma_start3A_555 = arith.constant 0 : i32
      %dma_start3A_556 = arith.constant 0 : i32
      %dma_start3A_557 = tpu.memref_slice %arg2[%dma_start3A_555, %dma_start3A_556] : memref<10000x128xf32, #tpu.memory_space<hbm>> -> memref<10000x128xf32, #tpu.memory_space<hbm>>
      tpu.enqueue_indirect_dma source(%dma_start3A_557 : memref<10000x128xf32, #tpu.memory_space<hbm>>) target(%arg10 : memref<128x128xf32, #tpu.memory_space<vmem>>) offsets(%dma_start3A_554 : memref<128xi32, #tpu.memory_space<vmem>>) semaphore(%arg16 : memref<!tpu.dma_semaphore, #tpu.memory_space<semaphore_mem>>)
      %add3A_558 = arith.constant 3 : i32
      %add3A_559 = arith.addi %add3A_534, %add3A_558 : i32
      %mul3A_560 = arith.constant 128 : i32
      %mul3A_561 = arith.muli %add3A_559, %mul3A_560 : i32
      %add3A_562 = arith.addi %mul3A_4, %mul3A_561 : i32
      %dma_start3A_563 = arith.constant 0 : i32
      %dma_start3A_564 = tpu.memref_slice %arg3[%dma_start3A_563, %add3A_562] : memref<2x320000xi32, #tpu.memory_space<hbm>> -> memref<2x128xi32, #tpu.memory_space<hbm>>
      %dma_start3A_565 = arith.constant 0 : i32
      %dma_start3A_566 = tpu.memref_slice %arg3[%dma_start3A_565, %add3A_562] : memref<2x320000xi32, #tpu.memory_space<hbm>> -> memref<2x128xi32, #tpu.memory_space<hbm>>
      tpu.enqueue_dma source(%dma_start3A_566 : memref<2x128xi32, #tpu.memory_space<hbm>>) target(%arg6 : memref<2x128xi32, #tpu.memory_space<vmem>>) target_semaphore(%arg12 : memref<!tpu.dma_semaphore, #tpu.memory_space<semaphore_mem>>)
      %dma_wait3A_567 = arith.constant 0 : i32
      %dma_wait3A_568 = arith.constant 0 : i32
      %dma_wait3A_569 = tpu.memref_slice %arg7[%dma_wait3A_567, %dma_wait3A_568] : memref<2x128xi32, #tpu.memory_space<vmem>> -> memref<1x128xi32, #tpu.memory_space<vmem>>
      %dma_wait3A_570 = tpu.memref_squeeze %dma_wait3A_569 : memref<1x128xi32, #tpu.memory_space<vmem>> -> memref<128xi32, #tpu.memory_space<vmem>>
      %dma_wait3A_571 = arith.constant 0 : i32
      %dma_wait3A_572 = arith.constant 0 : i32
      %dma_wait3A_573 = tpu.memref_slice %arg2[%dma_wait3A_571, %dma_wait3A_572] : memref<10000x128xf32, #tpu.memory_space<hbm>> -> memref<10000x128xf32, #tpu.memory_space<hbm>>
      tpu.wait_indirect_dma semaphore(%arg17 : memref<!tpu.dma_semaphore, #tpu.memory_space<semaphore_mem>>) src(%dma_wait3A_573 : memref<10000x128xf32, #tpu.memory_space<hbm>>) dst(%arg11 : memref<128x128xf32, #tpu.memory_space<vmem>>)
      %dma_start3A_574 = arith.constant 1 : i32
      %dma_start3A_575 = arith.constant 0 : i32
      %dma_start3A_576 = tpu.memref_slice %arg7[%dma_start3A_574, %dma_start3A_575] : memref<2x128xi32, #tpu.memory_space<vmem>> -> memref<1x128xi32, #tpu.memory_space<vmem>>
      %dma_start3A_577 = tpu.memref_squeeze %dma_start3A_576 : memref<1x128xi32, #tpu.memory_space<vmem>> -> memref<128xi32, #tpu.memory_space<vmem>>
      %dma_start3A_578 = arith.constant 0 : i32
      %dma_start3A_579 = arith.constant 0 : i32
      %dma_start3A_580 = tpu.memref_slice %arg18[%dma_start3A_578, %dma_start3A_579] : memref<10000x128xf32, #tpu.memory_space<vmem_shared>> -> memref<10000x128xf32, #tpu.memory_space<vmem_shared>>
      tpu.enqueue_indirect_dma source(%arg11 : memref<128x128xf32, #tpu.memory_space<vmem>>) target(%dma_start3A_580 : memref<10000x128xf32, #tpu.memory_space<vmem_shared>>) offsets(%dma_start3A_577 : memref<128xi32, #tpu.memory_space<vmem>>) semaphore(%arg17 : memref<!tpu.dma_semaphore, #tpu.memory_space<semaphore_mem>>) {add = true}
      %add3A_581 = arith.constant 2 : i32
      %add3A_582 = arith.addi %mul3A_484, %add3A_581 : i32
      %add3A_583 = arith.constant 1 : i32
      %add3A_584 = arith.addi %add3A_582, %add3A_583 : i32
      %mul3A_585 = arith.constant 128 : i32
      %mul3A_586 = arith.muli %add3A_584, %mul3A_585 : i32
      %add3A_587 = arith.addi %mul3A_4, %mul3A_586 : i32
      %dma_wait3A_588 = arith.constant 0 : i32
      %dma_wait3A_589 = tpu.memref_slice %arg3[%dma_wait3A_588, %add3A_587] : memref<2x320000xi32, #tpu.memory_space<hbm>> -> memref<2x128xi32, #tpu.memory_space<hbm>>
      %dma_wait3A_590 = arith.constant 0 : i32
      %dma_wait3A_591 = tpu.memref_slice %arg3[%dma_wait3A_590, %add3A_587] : memref<2x320000xi32, #tpu.memory_space<hbm>> -> memref<2x128xi32, #tpu.memory_space<hbm>>
      tpu.wait_dma2 semaphore(%arg15 : memref<!tpu.dma_semaphore, #tpu.memory_space<semaphore_mem>>) src(%dma_wait3A_591 : memref<2x128xi32, #tpu.memory_space<hbm>>) dst(%arg9 : memref<2x128xi32, #tpu.memory_space<vmem>>)
      %dma_wait3A_592 = arith.constant 1 : i32
      %dma_wait3A_593 = arith.constant 0 : i32
      %dma_wait3A_594 = tpu.memref_slice %arg7[%dma_wait3A_592, %dma_wait3A_593] : memref<2x128xi32, #tpu.memory_space<vmem>> -> memref<1x128xi32, #tpu.memory_space<vmem>>
      %dma_wait3A_595 = tpu.memref_squeeze %dma_wait3A_594 : memref<1x128xi32, #tpu.memory_space<vmem>> -> memref<128xi32, #tpu.memory_space<vmem>>
      %dma_wait3A_596 = arith.constant 0 : i32
      %dma_wait3A_597 = arith.constant 0 : i32
      %dma_wait3A_598 = tpu.memref_slice %arg18[%dma_wait3A_596, %dma_wait3A_597] : memref<10000x128xf32, #tpu.memory_space<vmem_shared>> -> memref<10000x128xf32, #tpu.memory_space<vmem_shared>>
      tpu.wait_indirect_dma semaphore(%arg17 : memref<!tpu.dma_semaphore, #tpu.memory_space<semaphore_mem>>) src(%arg11 : memref<128x128xf32, #tpu.memory_space<vmem>>) dst(%dma_wait3A_598 : memref<10000x128xf32, #tpu.memory_space<vmem_shared>>)
      %dma_start3A_599 = arith.constant 0 : i32
      %dma_start3A_600 = arith.constant 0 : i32
      %dma_start3A_601 = tpu.memref_slice %arg9[%dma_start3A_599, %dma_start3A_600] : memref<2x128xi32, #tpu.memory_space<vmem>> -> memref<1x128xi32, #tpu.memory_space<vmem>>
      %dma_start3A_602 = tpu.memref_squeeze %dma_start3A_601 : memref<1x128xi32, #tpu.memory_space<vmem>> -> memref<128xi32, #tpu.memory_space<vmem>>
      %dma_start3A_603 = arith.constant 0 : i32
      %dma_start3A_604 = arith.constant 0 : i32
      %dma_start3A_605 = tpu.memref_slice %arg2[%dma_start3A_603, %dma_start3A_604] : memref<10000x128xf32, #tpu.memory_space<hbm>> -> memref<10000x128xf32, #tpu.memory_space<hbm>>
      tpu.enqueue_indirect_dma source(%dma_start3A_605 : memref<10000x128xf32, #tpu.memory_space<hbm>>) target(%arg11 : memref<128x128xf32, #tpu.memory_space<vmem>>) offsets(%dma_start3A_602 : memref<128xi32, #tpu.memory_space<vmem>>) semaphore(%arg17 : memref<!tpu.dma_semaphore, #tpu.memory_space<semaphore_mem>>)
      %add3A_606 = arith.constant 3 : i32
      %add3A_607 = arith.addi %add3A_582, %add3A_606 : i32
      %mul3A_608 = arith.constant 128 : i32
      %mul3A_609 = arith.muli %add3A_607, %mul3A_608 : i32
      %add3A_610 = arith.addi %mul3A_4, %mul3A_609 : i32
      %dma_start3A_611 = arith.constant 0 : i32
      %dma_start3A_612 = tpu.memref_slice %arg3[%dma_start3A_611, %add3A_610] : memref<2x320000xi32, #tpu.memory_space<hbm>> -> memref<2x128xi32, #tpu.memory_space<hbm>>
      %dma_start3A_613 = arith.constant 0 : i32
      %dma_start3A_614 = tpu.memref_slice %arg3[%dma_start3A_613, %add3A_610] : memref<2x320000xi32, #tpu.memory_space<hbm>> -> memref<2x128xi32, #tpu.memory_space<hbm>>
      tpu.enqueue_dma source(%dma_start3A_614 : memref<2x128xi32, #tpu.memory_space<hbm>>) target(%arg7 : memref<2x128xi32, #tpu.memory_space<vmem>>) target_semaphore(%arg13 : memref<!tpu.dma_semaphore, #tpu.memory_space<semaphore_mem>>)
      %dma_wait3A_615 = arith.constant 0 : i32
      %dma_wait3A_616 = arith.constant 0 : i32
      %dma_wait3A_617 = tpu.memref_slice %arg8[%dma_wait3A_615, %dma_wait3A_616] : memref<2x128xi32, #tpu.memory_space<vmem>> -> memref<1x128xi32, #tpu.memory_space<vmem>>
      %dma_wait3A_618 = tpu.memref_squeeze %dma_wait3A_617 : memref<1x128xi32, #tpu.memory_space<vmem>> -> memref<128xi32, #tpu.memory_space<vmem>>
      %dma_wait3A_619 = arith.constant 0 : i32
      %dma_wait3A_620 = arith.constant 0 : i32
      %dma_wait3A_621 = tpu.memref_slice %arg2[%dma_wait3A_619, %dma_wait3A_620] : memref<10000x128xf32, #tpu.memory_space<hbm>> -> memref<10000x128xf32, #tpu.memory_space<hbm>>
      tpu.wait_indirect_dma semaphore(%arg16 : memref<!tpu.dma_semaphore, #tpu.memory_space<semaphore_mem>>) src(%dma_wait3A_621 : memref<10000x128xf32, #tpu.memory_space<hbm>>) dst(%arg10 : memref<128x128xf32, #tpu.memory_space<vmem>>)
      %dma_start3A_622 = arith.constant 1 : i32
      %dma_start3A_623 = arith.constant 0 : i32
      %dma_start3A_624 = tpu.memref_slice %arg8[%dma_start3A_622, %dma_start3A_623] : memref<2x128xi32, #tpu.memory_space<vmem>> -> memref<1x128xi32, #tpu.memory_space<vmem>>
      %dma_start3A_625 = tpu.memref_squeeze %dma_start3A_624 : memref<1x128xi32, #tpu.memory_space<vmem>> -> memref<128xi32, #tpu.memory_space<vmem>>
      %dma_start3A_626 = arith.constant 0 : i32
      %dma_start3A_627 = arith.constant 0 : i32
      %dma_start3A_628 = tpu.memref_slice %arg18[%dma_start3A_626, %dma_start3A_627] : memref<10000x128xf32, #tpu.memory_space<vmem_shared>> -> memref<10000x128xf32, #tpu.memory_space<vmem_shared>>
      tpu.enqueue_indirect_dma source(%arg10 : memref<128x128xf32, #tpu.memory_space<vmem>>) target(%dma_start3A_628 : memref<10000x128xf32, #tpu.memory_space<vmem_shared>>) offsets(%dma_start3A_625 : memref<128xi32, #tpu.memory_space<vmem>>) semaphore(%arg16 : memref<!tpu.dma_semaphore, #tpu.memory_space<semaphore_mem>>) {add = true}
      %add3A_629 = arith.constant 3 : i32
      %add3A_630 = arith.addi %mul3A_484, %add3A_629 : i32
      %add3A_631 = arith.constant 1 : i32
      %add3A_632 = arith.addi %add3A_630, %add3A_631 : i32
      %mul3A_633 = arith.constant 128 : i32
      %mul3A_634 = arith.muli %add3A_632, %mul3A_633 : i32
      %add3A_635 = arith.addi %mul3A_4, %mul3A_634 : i32
      %dma_wait3A_636 = arith.constant 0 : i32
      %dma_wait3A_637 = tpu.memref_slice %arg3[%dma_wait3A_636, %add3A_635] : memref<2x320000xi32, #tpu.memory_space<hbm>> -> memref<2x128xi32, #tpu.memory_space<hbm>>
      %dma_wait3A_638 = arith.constant 0 : i32
      %dma_wait3A_639 = tpu.memref_slice %arg3[%dma_wait3A_638, %add3A_635] : memref<2x320000xi32, #tpu.memory_space<hbm>> -> memref<2x128xi32, #tpu.memory_space<hbm>>
      tpu.wait_dma2 semaphore(%arg12 : memref<!tpu.dma_semaphore, #tpu.memory_space<semaphore_mem>>) src(%dma_wait3A_639 : memref<2x128xi32, #tpu.memory_space<hbm>>) dst(%arg6 : memref<2x128xi32, #tpu.memory_space<vmem>>)
      %dma_wait3A_640 = arith.constant 1 : i32
      %dma_wait3A_641 = arith.constant 0 : i32
      %dma_wait3A_642 = tpu.memref_slice %arg8[%dma_wait3A_640, %dma_wait3A_641] : memref<2x128xi32, #tpu.memory_space<vmem>> -> memref<1x128xi32, #tpu.memory_space<vmem>>
      %dma_wait3A_643 = tpu.memref_squeeze %dma_wait3A_642 : memref<1x128xi32, #tpu.memory_space<vmem>> -> memref<128xi32, #tpu.memory_space<vmem>>
      %dma_wait3A_644 = arith.constant 0 : i32
      %dma_wait3A_645 = arith.constant 0 : i32
      %dma_wait3A_646 = tpu.memref_slice %arg18[%dma_wait3A_644, %dma_wait3A_645] : memref<10000x128xf32, #tpu.memory_space<vmem_shared>> -> memref<10000x128xf32, #tpu.memory_space<vmem_shared>>
      tpu.wait_indirect_dma semaphore(%arg16 : memref<!tpu.dma_semaphore, #tpu.memory_space<semaphore_mem>>) src(%arg10 : memref<128x128xf32, #tpu.memory_space<vmem>>) dst(%dma_wait3A_646 : memref<10000x128xf32, #tpu.memory_space<vmem_shared>>)
      %dma_start3A_647 = arith.constant 0 : i32
      %dma_start3A_648 = arith.constant 0 : i32
      %dma_start3A_649 = tpu.memref_slice %arg6[%dma_start3A_647, %dma_start3A_648] : memref<2x128xi32, #tpu.memory_space<vmem>> -> memref<1x128xi32, #tpu.memory_space<vmem>>
      %dma_start3A_650 = tpu.memref_squeeze %dma_start3A_649 : memref<1x128xi32, #tpu.memory_space<vmem>> -> memref<128xi32, #tpu.memory_space<vmem>>
      %dma_start3A_651 = arith.constant 0 : i32
      %dma_start3A_652 = arith.constant 0 : i32
      %dma_start3A_653 = tpu.memref_slice %arg2[%dma_start3A_651, %dma_start3A_652] : memref<10000x128xf32, #tpu.memory_space<hbm>> -> memref<10000x128xf32, #tpu.memory_space<hbm>>
      tpu.enqueue_indirect_dma source(%dma_start3A_653 : memref<10000x128xf32, #tpu.memory_space<hbm>>) target(%arg10 : memref<128x128xf32, #tpu.memory_space<vmem>>) offsets(%dma_start3A_650 : memref<128xi32, #tpu.memory_space<vmem>>) semaphore(%arg16 : memref<!tpu.dma_semaphore, #tpu.memory_space<semaphore_mem>>)
      %add3A_654 = arith.constant 3 : i32
      %add3A_655 = arith.addi %add3A_630, %add3A_654 : i32
      %mul3A_656 = arith.constant 128 : i32
      %mul3A_657 = arith.muli %add3A_655, %mul3A_656 : i32
      %add3A_658 = arith.addi %mul3A_4, %mul3A_657 : i32
      %dma_start3A_659 = arith.constant 0 : i32
      %dma_start3A_660 = tpu.memref_slice %arg3[%dma_start3A_659, %add3A_658] : memref<2x320000xi32, #tpu.memory_space<hbm>> -> memref<2x128xi32, #tpu.memory_space<hbm>>
      %dma_start3A_661 = arith.constant 0 : i32
      %dma_start3A_662 = tpu.memref_slice %arg3[%dma_start3A_661, %add3A_658] : memref<2x320000xi32, #tpu.memory_space<hbm>> -> memref<2x128xi32, #tpu.memory_space<hbm>>
      tpu.enqueue_dma source(%dma_start3A_662 : memref<2x128xi32, #tpu.memory_space<hbm>>) target(%arg8 : memref<2x128xi32, #tpu.memory_space<vmem>>) target_semaphore(%arg14 : memref<!tpu.dma_semaphore, #tpu.memory_space<semaphore_mem>>)
      %dma_wait3A_663 = arith.constant 0 : i32
      %dma_wait3A_664 = arith.constant 0 : i32
      %dma_wait3A_665 = tpu.memref_slice %arg9[%dma_wait3A_663, %dma_wait3A_664] : memref<2x128xi32, #tpu.memory_space<vmem>> -> memref<1x128xi32, #tpu.memory_space<vmem>>
      %dma_wait3A_666 = tpu.memref_squeeze %dma_wait3A_665 : memref<1x128xi32, #tpu.memory_space<vmem>> -> memref<128xi32, #tpu.memory_space<vmem>>
      %dma_wait3A_667 = arith.constant 0 : i32
      %dma_wait3A_668 = arith.constant 0 : i32
      %dma_wait3A_669 = tpu.memref_slice %arg2[%dma_wait3A_667, %dma_wait3A_668] : memref<10000x128xf32, #tpu.memory_space<hbm>> -> memref<10000x128xf32, #tpu.memory_space<hbm>>
      tpu.wait_indirect_dma semaphore(%arg17 : memref<!tpu.dma_semaphore, #tpu.memory_space<semaphore_mem>>) src(%dma_wait3A_669 : memref<10000x128xf32, #tpu.memory_space<hbm>>) dst(%arg11 : memref<128x128xf32, #tpu.memory_space<vmem>>)
      %dma_start3A_670 = arith.constant 1 : i32
      %dma_start3A_671 = arith.constant 0 : i32
      %dma_start3A_672 = tpu.memref_slice %arg9[%dma_start3A_670, %dma_start3A_671] : memref<2x128xi32, #tpu.memory_space<vmem>> -> memref<1x128xi32, #tpu.memory_space<vmem>>
      %dma_start3A_673 = tpu.memref_squeeze %dma_start3A_672 : memref<1x128xi32, #tpu.memory_space<vmem>> -> memref<128xi32, #tpu.memory_space<vmem>>
      %dma_start3A_674 = arith.constant 0 : i32
      %dma_start3A_675 = arith.constant 0 : i32
      %dma_start3A_676 = tpu.memref_slice %arg18[%dma_start3A_674, %dma_start3A_675] : memref<10000x128xf32, #tpu.memory_space<vmem_shared>> -> memref<10000x128xf32, #tpu.memory_space<vmem_shared>>
      tpu.enqueue_indirect_dma source(%arg11 : memref<128x128xf32, #tpu.memory_space<vmem>>) target(%dma_start3A_676 : memref<10000x128xf32, #tpu.memory_space<vmem_shared>>) offsets(%dma_start3A_673 : memref<128xi32, #tpu.memory_space<vmem>>) semaphore(%arg17 : memref<!tpu.dma_semaphore, #tpu.memory_space<semaphore_mem>>) {add = true}
      %scan3A_677 = arith.constant 0 : i32
      scf.yield %scan3A_677 : i32
    }
    %scan3A_214 = arith.constant 17 : i32
    %add3A_215 = arith.constant 9344 : i32
    %add3A_216 = arith.addi %mul3A_4, %add3A_215 : i32
    %dma_wait3A_217 = arith.constant 0 : i32
    %dma_wait3A_218 = tpu.memref_slice %arg3[%dma_wait3A_217, %add3A_216] : memref<2x320000xi32, #tpu.memory_space<hbm>> -> memref<2x128xi32, #tpu.memory_space<hbm>>
    %dma_wait3A_219 = arith.constant 0 : i32
    %dma_wait3A_220 = tpu.memref_slice %arg3[%dma_wait3A_219, %add3A_216] : memref<2x320000xi32, #tpu.memory_space<hbm>> -> memref<2x128xi32, #tpu.memory_space<hbm>>
    tpu.wait_dma2 semaphore(%arg13 : memref<!tpu.dma_semaphore, #tpu.memory_space<semaphore_mem>>) src(%dma_wait3A_220 : memref<2x128xi32, #tpu.memory_space<hbm>>) dst(%arg7 : memref<2x128xi32, #tpu.memory_space<vmem>>)
    %dma_wait3A_221 = arith.constant 1 : i32
    %dma_wait3A_222 = arith.constant 0 : i32
    %dma_wait3A_223 = tpu.memref_slice %arg9[%dma_wait3A_221, %dma_wait3A_222] : memref<2x128xi32, #tpu.memory_space<vmem>> -> memref<1x128xi32, #tpu.memory_space<vmem>>
    %dma_wait3A_224 = tpu.memref_squeeze %dma_wait3A_223 : memref<1x128xi32, #tpu.memory_space<vmem>> -> memref<128xi32, #tpu.memory_space<vmem>>
    %dma_wait3A_225 = arith.constant 0 : i32
    %dma_wait3A_226 = arith.constant 0 : i32
    %dma_wait3A_227 = tpu.memref_slice %arg18[%dma_wait3A_225, %dma_wait3A_226] : memref<10000x128xf32, #tpu.memory_space<vmem_shared>> -> memref<10000x128xf32, #tpu.memory_space<vmem_shared>>
    tpu.wait_indirect_dma semaphore(%arg17 : memref<!tpu.dma_semaphore, #tpu.memory_space<semaphore_mem>>) src(%arg11 : memref<128x128xf32, #tpu.memory_space<vmem>>) dst(%dma_wait3A_227 : memref<10000x128xf32, #tpu.memory_space<vmem_shared>>)
    %dma_start3A_228 = arith.constant 0 : i32
    %dma_start3A_229 = arith.constant 0 : i32
    %dma_start3A_230 = tpu.memref_slice %arg7[%dma_start3A_228, %dma_start3A_229] : memref<2x128xi32, #tpu.memory_space<vmem>> -> memref<1x128xi32, #tpu.memory_space<vmem>>
    %dma_start3A_231 = tpu.memref_squeeze %dma_start3A_230 : memref<1x128xi32, #tpu.memory_space<vmem>> -> memref<128xi32, #tpu.memory_space<vmem>>
    %dma_start3A_232 = arith.constant 0 : i32
    %dma_start3A_233 = arith.constant 0 : i32
    %dma_start3A_234 = tpu.memref_slice %arg2[%dma_start3A_232, %dma_start3A_233] : memref<10000x128xf32, #tpu.memory_space<hbm>> -> memref<10000x128xf32, #tpu.memory_space<hbm>>
    tpu.enqueue_indirect_dma source(%dma_start3A_234 : memref<10000x128xf32, #tpu.memory_space<hbm>>) target(%arg11 : memref<128x128xf32, #tpu.memory_space<vmem>>) offsets(%dma_start3A_231 : memref<128xi32, #tpu.memory_space<vmem>>) semaphore(%arg17 : memref<!tpu.dma_semaphore, #tpu.memory_space<semaphore_mem>>)
    %add3A_235 = arith.constant 9600 : i32
    %add3A_236 = arith.addi %mul3A_4, %add3A_235 : i32
    %dma_start3A_237 = arith.constant 0 : i32
    %dma_start3A_238 = tpu.memref_slice %arg3[%dma_start3A_237, %add3A_236] : memref<2x320000xi32, #tpu.memory_space<hbm>> -> memref<2x128xi32, #tpu.memory_space<hbm>>
    %dma_start3A_239 = arith.constant 0 : i32
    %dma_start3A_240 = tpu.memref_slice %arg3[%dma_start3A_239, %add3A_236] : memref<2x320000xi32, #tpu.memory_space<hbm>> -> memref<2x128xi32, #tpu.memory_space<hbm>>
    tpu.enqueue_dma source(%dma_start3A_240 : memref<2x128xi32, #tpu.memory_space<hbm>>) target(%arg9 : memref<2x128xi32, #tpu.memory_space<vmem>>) target_semaphore(%arg15 : memref<!tpu.dma_semaphore, #tpu.memory_space<semaphore_mem>>)
    %dma_wait3A_241 = arith.constant 0 : i32
    %dma_wait3A_242 = arith.constant 0 : i32
    %dma_wait3A_243 = tpu.memref_slice %arg6[%dma_wait3A_241, %dma_wait3A_242] : memref<2x128xi32, #tpu.memory_space<vmem>> -> memref<1x128xi32, #tpu.memory_space<vmem>>
    %dma_wait3A_244 = tpu.memref_squeeze %dma_wait3A_243 : memref<1x128xi32, #tpu.memory_space<vmem>> -> memref<128xi32, #tpu.memory_space<vmem>>
    %dma_wait3A_245 = arith.constant 0 : i32
    %dma_wait3A_246 = arith.constant 0 : i32
    %dma_wait3A_247 = tpu.memref_slice %arg2[%dma_wait3A_245, %dma_wait3A_246] : memref<10000x128xf32, #tpu.memory_space<hbm>> -> memref<10000x128xf32, #tpu.memory_space<hbm>>
    tpu.wait_indirect_dma semaphore(%arg16 : memref<!tpu.dma_semaphore, #tpu.memory_space<semaphore_mem>>) src(%dma_wait3A_247 : memref<10000x128xf32, #tpu.memory_space<hbm>>) dst(%arg10 : memref<128x128xf32, #tpu.memory_space<vmem>>)
    %dma_start3A_248 = arith.constant 1 : i32
    %dma_start3A_249 = arith.constant 0 : i32
    %dma_start3A_250 = tpu.memref_slice %arg6[%dma_start3A_248, %dma_start3A_249] : memref<2x128xi32, #tpu.memory_space<vmem>> -> memref<1x128xi32, #tpu.memory_space<vmem>>
    %dma_start3A_251 = tpu.memref_squeeze %dma_start3A_250 : memref<1x128xi32, #tpu.memory_space<vmem>> -> memref<128xi32, #tpu.memory_space<vmem>>
    %dma_start3A_252 = arith.constant 0 : i32
    %dma_start3A_253 = arith.constant 0 : i32
    %dma_start3A_254 = tpu.memref_slice %arg18[%dma_start3A_252, %dma_start3A_253] : memref<10000x128xf32, #tpu.memory_space<vmem_shared>> -> memref<10000x128xf32, #tpu.memory_space<vmem_shared>>
    tpu.enqueue_indirect_dma source(%arg10 : memref<128x128xf32, #tpu.memory_space<vmem>>) target(%dma_start3A_254 : memref<10000x128xf32, #tpu.memory_space<vmem_shared>>) offsets(%dma_start3A_251 : memref<128xi32, #tpu.memory_space<vmem>>) semaphore(%arg16 : memref<!tpu.dma_semaphore, #tpu.memory_space<semaphore_mem>>) {add = true}
    %add3A_255 = arith.constant 9472 : i32
    %add3A_256 = arith.addi %mul3A_4, %add3A_255 : i32
    %dma_wait3A_257 = arith.constant 0 : i32
    %dma_wait3A_258 = tpu.memref_slice %arg3[%dma_wait3A_257, %add3A_256] : memref<2x320000xi32, #tpu.memory_space<hbm>> -> memref<2x128xi32, #tpu.memory_space<hbm>>
    %dma_wait3A_259 = arith.constant 0 : i32
    %dma_wait3A_260 = tpu.memref_slice %arg3[%dma_wait3A_259, %add3A_256] : memref<2x320000xi32, #tpu.memory_space<hbm>> -> memref<2x128xi32, #tpu.memory_space<hbm>>
    tpu.wait_dma2 semaphore(%arg14 : memref<!tpu.dma_semaphore, #tpu.memory_space<semaphore_mem>>) src(%dma_wait3A_260 : memref<2x128xi32, #tpu.memory_space<hbm>>) dst(%arg8 : memref<2x128xi32, #tpu.memory_space<vmem>>)
    %dma_wait3A_261 = arith.constant 1 : i32
    %dma_wait3A_262 = arith.constant 0 : i32
    %dma_wait3A_263 = tpu.memref_slice %arg6[%dma_wait3A_261, %dma_wait3A_262] : memref<2x128xi32, #tpu.memory_space<vmem>> -> memref<1x128xi32, #tpu.memory_space<vmem>>
    %dma_wait3A_264 = tpu.memref_squeeze %dma_wait3A_263 : memref<1x128xi32, #tpu.memory_space<vmem>> -> memref<128xi32, #tpu.memory_space<vmem>>
    %dma_wait3A_265 = arith.constant 0 : i32
    %dma_wait3A_266 = arith.constant 0 : i32
    %dma_wait3A_267 = tpu.memref_slice %arg18[%dma_wait3A_265, %dma_wait3A_266] : memref<10000x128xf32, #tpu.memory_space<vmem_shared>> -> memref<10000x128xf32, #tpu.memory_space<vmem_shared>>
    tpu.wait_indirect_dma semaphore(%arg16 : memref<!tpu.dma_semaphore, #tpu.memory_space<semaphore_mem>>) src(%arg10 : memref<128x128xf32, #tpu.memory_space<vmem>>) dst(%dma_wait3A_267 : memref<10000x128xf32, #tpu.memory_space<vmem_shared>>)
    %dma_start3A_268 = arith.constant 0 : i32
    %dma_start3A_269 = arith.constant 0 : i32
    %dma_start3A_270 = tpu.memref_slice %arg8[%dma_start3A_268, %dma_start3A_269] : memref<2x128xi32, #tpu.memory_space<vmem>> -> memref<1x128xi32, #tpu.memory_space<vmem>>
    %dma_start3A_271 = tpu.memref_squeeze %dma_start3A_270 : memref<1x128xi32, #tpu.memory_space<vmem>> -> memref<128xi32, #tpu.memory_space<vmem>>
    %dma_start3A_272 = arith.constant 0 : i32
    %dma_start3A_273 = arith.constant 0 : i32
    %dma_start3A_274 = tpu.memref_slice %arg2[%dma_start3A_272, %dma_start3A_273] : memref<10000x128xf32, #tpu.memory_space<hbm>> -> memref<10000x128xf32, #tpu.memory_space<hbm>>
    tpu.enqueue_indirect_dma source(%dma_start3A_274 : memref<10000x128xf32, #tpu.memory_space<hbm>>) target(%arg10 : memref<128x128xf32, #tpu.memory_space<vmem>>) offsets(%dma_start3A_271 : memref<128xi32, #tpu.memory_space<vmem>>) semaphore(%arg16 : memref<!tpu.dma_semaphore, #tpu.memory_space<semaphore_mem>>)
    %add3A_275 = arith.constant 9728 : i32
    %add3A_276 = arith.addi %mul3A_4, %add3A_275 : i32
    %dma_start3A_277 = arith.constant 0 : i32
    %dma_start3A_278 = tpu.memref_slice %arg3[%dma_start3A_277, %add3A_276] : memref<2x320000xi32, #tpu.memory_space<hbm>> -> memref<2x128xi32, #tpu.memory_space<hbm>>
    %dma_start3A_279 = arith.constant 0 : i32
    %dma_start3A_280 = tpu.memref_slice %arg3[%dma_start3A_279, %add3A_276] : memref<2x320000xi32, #tpu.memory_space<hbm>> -> memref<2x128xi32, #tpu.memory_space<hbm>>
    tpu.enqueue_dma source(%dma_start3A_280 : memref<2x128xi32, #tpu.memory_space<hbm>>) target(%arg6 : memref<2x128xi32, #tpu.memory_space<vmem>>) target_semaphore(%arg12 : memref<!tpu.dma_semaphore, #tpu.memory_space<semaphore_mem>>)
    %dma_wait3A_281 = arith.constant 0 : i32
    %dma_wait3A_282 = arith.constant 0 : i32
    %dma_wait3A_283 = tpu.memref_slice %arg7[%dma_wait3A_281, %dma_wait3A_282] : memref<2x128xi32, #tpu.memory_space<vmem>> -> memref<1x128xi32, #tpu.memory_space<vmem>>
    %dma_wait3A_284 = tpu.memref_squeeze %dma_wait3A_283 : memref<1x128xi32, #tpu.memory_space<vmem>> -> memref<128xi32, #tpu.memory_space<vmem>>
    %dma_wait3A_285 = arith.constant 0 : i32
    %dma_wait3A_286 = arith.constant 0 : i32
    %dma_wait3A_287 = tpu.memref_slice %arg2[%dma_wait3A_285, %dma_wait3A_286] : memref<10000x128xf32, #tpu.memory_space<hbm>> -> memref<10000x128xf32, #tpu.memory_space<hbm>>
    tpu.wait_indirect_dma semaphore(%arg17 : memref<!tpu.dma_semaphore, #tpu.memory_space<semaphore_mem>>) src(%dma_wait3A_287 : memref<10000x128xf32, #tpu.memory_space<hbm>>) dst(%arg11 : memref<128x128xf32, #tpu.memory_space<vmem>>)
    %dma_start3A_288 = arith.constant 1 : i32
    %dma_start3A_289 = arith.constant 0 : i32
    %dma_start3A_290 = tpu.memref_slice %arg7[%dma_start3A_288, %dma_start3A_289] : memref<2x128xi32, #tpu.memory_space<vmem>> -> memref<1x128xi32, #tpu.memory_space<vmem>>
    %dma_start3A_291 = tpu.memref_squeeze %dma_start3A_290 : memref<1x128xi32, #tpu.memory_space<vmem>> -> memref<128xi32, #tpu.memory_space<vmem>>
    %dma_start3A_292 = arith.constant 0 : i32
    %dma_start3A_293 = arith.constant 0 : i32
    %dma_start3A_294 = tpu.memref_slice %arg18[%dma_start3A_292, %dma_start3A_293] : memref<10000x128xf32, #tpu.memory_space<vmem_shared>> -> memref<10000x128xf32, #tpu.memory_space<vmem_shared>>
    tpu.enqueue_indirect_dma source(%arg11 : memref<128x128xf32, #tpu.memory_space<vmem>>) target(%dma_start3A_294 : memref<10000x128xf32, #tpu.memory_space<vmem_shared>>) offsets(%dma_start3A_291 : memref<128xi32, #tpu.memory_space<vmem>>) semaphore(%arg17 : memref<!tpu.dma_semaphore, #tpu.memory_space<semaphore_mem>>) {add = true}
    %add3A_295 = arith.constant 9600 : i32
    %add3A_296 = arith.addi %mul3A_4, %add3A_295 : i32
    %dma_wait3A_297 = arith.constant 0 : i32
    %dma_wait3A_298 = tpu.memref_slice %arg3[%dma_wait3A_297, %add3A_296] : memref<2x320000xi32, #tpu.memory_space<hbm>> -> memref<2x128xi32, #tpu.memory_space<hbm>>
    %dma_wait3A_299 = arith.constant 0 : i32
    %dma_wait3A_300 = tpu.memref_slice %arg3[%dma_wait3A_299, %add3A_296] : memref<2x320000xi32, #tpu.memory_space<hbm>> -> memref<2x128xi32, #tpu.memory_space<hbm>>
    tpu.wait_dma2 semaphore(%arg15 : memref<!tpu.dma_semaphore, #tpu.memory_space<semaphore_mem>>) src(%dma_wait3A_300 : memref<2x128xi32, #tpu.memory_space<hbm>>) dst(%arg9 : memref<2x128xi32, #tpu.memory_space<vmem>>)
    %dma_wait3A_301 = arith.constant 1 : i32
    %dma_wait3A_302 = arith.constant 0 : i32
    %dma_wait3A_303 = tpu.memref_slice %arg7[%dma_wait3A_301, %dma_wait3A_302] : memref<2x128xi32, #tpu.memory_space<vmem>> -> memref<1x128xi32, #tpu.memory_space<vmem>>
    %dma_wait3A_304 = tpu.memref_squeeze %dma_wait3A_303 : memref<1x128xi32, #tpu.memory_space<vmem>> -> memref<128xi32, #tpu.memory_space<vmem>>
    %dma_wait3A_305 = arith.constant 0 : i32
    %dma_wait3A_306 = arith.constant 0 : i32
    %dma_wait3A_307 = tpu.memref_slice %arg18[%dma_wait3A_305, %dma_wait3A_306] : memref<10000x128xf32, #tpu.memory_space<vmem_shared>> -> memref<10000x128xf32, #tpu.memory_space<vmem_shared>>
    tpu.wait_indirect_dma semaphore(%arg17 : memref<!tpu.dma_semaphore, #tpu.memory_space<semaphore_mem>>) src(%arg11 : memref<128x128xf32, #tpu.memory_space<vmem>>) dst(%dma_wait3A_307 : memref<10000x128xf32, #tpu.memory_space<vmem_shared>>)
    %dma_start3A_308 = arith.constant 0 : i32
    %dma_start3A_309 = arith.constant 0 : i32
    %dma_start3A_310 = tpu.memref_slice %arg9[%dma_start3A_308, %dma_start3A_309] : memref<2x128xi32, #tpu.memory_space<vmem>> -> memref<1x128xi32, #tpu.memory_space<vmem>>
    %dma_start3A_311 = tpu.memref_squeeze %dma_start3A_310 : memref<1x128xi32, #tpu.memory_space<vmem>> -> memref<128xi32, #tpu.memory_space<vmem>>
    %dma_start3A_312 = arith.constant 0 : i32
    %dma_start3A_313 = arith.constant 0 : i32
    %dma_start3A_314 = tpu.memref_slice %arg2[%dma_start3A_312, %dma_start3A_313] : memref<10000x128xf32, #tpu.memory_space<hbm>> -> memref<10000x128xf32, #tpu.memory_space<hbm>>
    tpu.enqueue_indirect_dma source(%dma_start3A_314 : memref<10000x128xf32, #tpu.memory_space<hbm>>) target(%arg11 : memref<128x128xf32, #tpu.memory_space<vmem>>) offsets(%dma_start3A_311 : memref<128xi32, #tpu.memory_space<vmem>>) semaphore(%arg17 : memref<!tpu.dma_semaphore, #tpu.memory_space<semaphore_mem>>)
    %add3A_315 = arith.constant 9856 : i32
    %add3A_316 = arith.addi %mul3A_4, %add3A_315 : i32
    %dma_start3A_317 = arith.constant 0 : i32
    %dma_start3A_318 = tpu.memref_slice %arg3[%dma_start3A_317, %add3A_316] : memref<2x320000xi32, #tpu.memory_space<hbm>> -> memref<2x128xi32, #tpu.memory_space<hbm>>
    %dma_start3A_319 = arith.constant 0 : i32
    %dma_start3A_320 = tpu.memref_slice %arg3[%dma_start3A_319, %add3A_316] : memref<2x320000xi32, #tpu.memory_space<hbm>> -> memref<2x128xi32, #tpu.memory_space<hbm>>
    tpu.enqueue_dma source(%dma_start3A_320 : memref<2x128xi32, #tpu.memory_space<hbm>>) target(%arg7 : memref<2x128xi32, #tpu.memory_space<vmem>>) target_semaphore(%arg13 : memref<!tpu.dma_semaphore, #tpu.memory_space<semaphore_mem>>)
    %dma_wait3A_321 = arith.constant 0 : i32
    %dma_wait3A_322 = arith.constant 0 : i32
    %dma_wait3A_323 = tpu.memref_slice %arg8[%dma_wait3A_321, %dma_wait3A_322] : memref<2x128xi32, #tpu.memory_space<vmem>> -> memref<1x128xi32, #tpu.memory_space<vmem>>
    %dma_wait3A_324 = tpu.memref_squeeze %dma_wait3A_323 : memref<1x128xi32, #tpu.memory_space<vmem>> -> memref<128xi32, #tpu.memory_space<vmem>>
    %dma_wait3A_325 = arith.constant 0 : i32
    %dma_wait3A_326 = arith.constant 0 : i32
    %dma_wait3A_327 = tpu.memref_slice %arg2[%dma_wait3A_325, %dma_wait3A_326] : memref<10000x128xf32, #tpu.memory_space<hbm>> -> memref<10000x128xf32, #tpu.memory_space<hbm>>
    tpu.wait_indirect_dma semaphore(%arg16 : memref<!tpu.dma_semaphore, #tpu.memory_space<semaphore_mem>>) src(%dma_wait3A_327 : memref<10000x128xf32, #tpu.memory_space<hbm>>) dst(%arg10 : memref<128x128xf32, #tpu.memory_space<vmem>>)
    %dma_start3A_328 = arith.constant 1 : i32
    %dma_start3A_329 = arith.constant 0 : i32
    %dma_start3A_330 = tpu.memref_slice %arg8[%dma_start3A_328, %dma_start3A_329] : memref<2x128xi32, #tpu.memory_space<vmem>> -> memref<1x128xi32, #tpu.memory_space<vmem>>
    %dma_start3A_331 = tpu.memref_squeeze %dma_start3A_330 : memref<1x128xi32, #tpu.memory_space<vmem>> -> memref<128xi32, #tpu.memory_space<vmem>>
    %dma_start3A_332 = arith.constant 0 : i32
    %dma_start3A_333 = arith.constant 0 : i32
    %dma_start3A_334 = tpu.memref_slice %arg18[%dma_start3A_332, %dma_start3A_333] : memref<10000x128xf32, #tpu.memory_space<vmem_shared>> -> memref<10000x128xf32, #tpu.memory_space<vmem_shared>>
    tpu.enqueue_indirect_dma source(%arg10 : memref<128x128xf32, #tpu.memory_space<vmem>>) target(%dma_start3A_334 : memref<10000x128xf32, #tpu.memory_space<vmem_shared>>) offsets(%dma_start3A_331 : memref<128xi32, #tpu.memory_space<vmem>>) semaphore(%arg16 : memref<!tpu.dma_semaphore, #tpu.memory_space<semaphore_mem>>) {add = true}
    %add3A_335 = arith.constant 9728 : i32
    %add3A_336 = arith.addi %mul3A_4, %add3A_335 : i32
    %dma_wait3A_337 = arith.constant 0 : i32
    %dma_wait3A_338 = tpu.memref_slice %arg3[%dma_wait3A_337, %add3A_336] : memref<2x320000xi32, #tpu.memory_space<hbm>> -> memref<2x128xi32, #tpu.memory_space<hbm>>
    %dma_wait3A_339 = arith.constant 0 : i32
    %dma_wait3A_340 = tpu.memref_slice %arg3[%dma_wait3A_339, %add3A_336] : memref<2x320000xi32, #tpu.memory_space<hbm>> -> memref<2x128xi32, #tpu.memory_space<hbm>>
    tpu.wait_dma2 semaphore(%arg12 : memref<!tpu.dma_semaphore, #tpu.memory_space<semaphore_mem>>) src(%dma_wait3A_340 : memref<2x128xi32, #tpu.memory_space<hbm>>) dst(%arg6 : memref<2x128xi32, #tpu.memory_space<vmem>>)
    %dma_wait3A_341 = arith.constant 1 : i32
    %dma_wait3A_342 = arith.constant 0 : i32
    %dma_wait3A_343 = tpu.memref_slice %arg8[%dma_wait3A_341, %dma_wait3A_342] : memref<2x128xi32, #tpu.memory_space<vmem>> -> memref<1x128xi32, #tpu.memory_space<vmem>>
    %dma_wait3A_344 = tpu.memref_squeeze %dma_wait3A_343 : memref<1x128xi32, #tpu.memory_space<vmem>> -> memref<128xi32, #tpu.memory_space<vmem>>
    %dma_wait3A_345 = arith.constant 0 : i32
    %dma_wait3A_346 = arith.constant 0 : i32
    %dma_wait3A_347 = tpu.memref_slice %arg18[%dma_wait3A_345, %dma_wait3A_346] : memref<10000x128xf32, #tpu.memory_space<vmem_shared>> -> memref<10000x128xf32, #tpu.memory_space<vmem_shared>>
    tpu.wait_indirect_dma semaphore(%arg16 : memref<!tpu.dma_semaphore, #tpu.memory_space<semaphore_mem>>) src(%arg10 : memref<128x128xf32, #tpu.memory_space<vmem>>) dst(%dma_wait3A_347 : memref<10000x128xf32, #tpu.memory_space<vmem_shared>>)
    %dma_start3A_348 = arith.constant 0 : i32
    %dma_start3A_349 = arith.constant 0 : i32
    %dma_start3A_350 = tpu.memref_slice %arg6[%dma_start3A_348, %dma_start3A_349] : memref<2x128xi32, #tpu.memory_space<vmem>> -> memref<1x128xi32, #tpu.memory_space<vmem>>
    %dma_start3A_351 = tpu.memref_squeeze %dma_start3A_350 : memref<1x128xi32, #tpu.memory_space<vmem>> -> memref<128xi32, #tpu.memory_space<vmem>>
    %dma_start3A_352 = arith.constant 0 : i32
    %dma_start3A_353 = arith.constant 0 : i32
    %dma_start3A_354 = tpu.memref_slice %arg2[%dma_start3A_352, %dma_start3A_353] : memref<10000x128xf32, #tpu.memory_space<hbm>> -> memref<10000x128xf32, #tpu.memory_space<hbm>>
    tpu.enqueue_indirect_dma source(%dma_start3A_354 : memref<10000x128xf32, #tpu.memory_space<hbm>>) target(%arg10 : memref<128x128xf32, #tpu.memory_space<vmem>>) offsets(%dma_start3A_351 : memref<128xi32, #tpu.memory_space<vmem>>) semaphore(%arg16 : memref<!tpu.dma_semaphore, #tpu.memory_space<semaphore_mem>>)
    %dma_wait3A_355 = arith.constant 0 : i32
    %dma_wait3A_356 = arith.constant 0 : i32
    %dma_wait3A_357 = tpu.memref_slice %arg9[%dma_wait3A_355, %dma_wait3A_356] : memref<2x128xi32, #tpu.memory_space<vmem>> -> memref<1x128xi32, #tpu.memory_space<vmem>>
    %dma_wait3A_358 = tpu.memref_squeeze %dma_wait3A_357 : memref<1x128xi32, #tpu.memory_space<vmem>> -> memref<128xi32, #tpu.memory_space<vmem>>
    %dma_wait3A_359 = arith.constant 0 : i32
    %dma_wait3A_360 = arith.constant 0 : i32
    %dma_wait3A_361 = tpu.memref_slice %arg2[%dma_wait3A_359, %dma_wait3A_360] : memref<10000x128xf32, #tpu.memory_space<hbm>> -> memref<10000x128xf32, #tpu.memory_space<hbm>>
    tpu.wait_indirect_dma semaphore(%arg17 : memref<!tpu.dma_semaphore, #tpu.memory_space<semaphore_mem>>) src(%dma_wait3A_361 : memref<10000x128xf32, #tpu.memory_space<hbm>>) dst(%arg11 : memref<128x128xf32, #tpu.memory_space<vmem>>)
    %dma_start3A_362 = arith.constant 1 : i32
    %dma_start3A_363 = arith.constant 0 : i32
    %dma_start3A_364 = tpu.memref_slice %arg9[%dma_start3A_362, %dma_start3A_363] : memref<2x128xi32, #tpu.memory_space<vmem>> -> memref<1x128xi32, #tpu.memory_space<vmem>>
    %dma_start3A_365 = tpu.memref_squeeze %dma_start3A_364 : memref<1x128xi32, #tpu.memory_space<vmem>> -> memref<128xi32, #tpu.memory_space<vmem>>
    %dma_start3A_366 = arith.constant 0 : i32
    %dma_start3A_367 = arith.constant 0 : i32
    %dma_start3A_368 = tpu.memref_slice %arg18[%dma_start3A_366, %dma_start3A_367] : memref<10000x128xf32, #tpu.memory_space<vmem_shared>> -> memref<10000x128xf32, #tpu.memory_space<vmem_shared>>
    tpu.enqueue_indirect_dma source(%arg11 : memref<128x128xf32, #tpu.memory_space<vmem>>) target(%dma_start3A_368 : memref<10000x128xf32, #tpu.memory_space<vmem_shared>>) offsets(%dma_start3A_365 : memref<128xi32, #tpu.memory_space<vmem>>) semaphore(%arg17 : memref<!tpu.dma_semaphore, #tpu.memory_space<semaphore_mem>>) {add = true}
    %add3A_369 = arith.constant 9856 : i32
    %add3A_370 = arith.addi %mul3A_4, %add3A_369 : i32
    %dma_wait3A_371 = arith.constant 0 : i32
    %dma_wait3A_372 = tpu.memref_slice %arg3[%dma_wait3A_371, %add3A_370] : memref<2x320000xi32, #tpu.memory_space<hbm>> -> memref<2x128xi32, #tpu.memory_space<hbm>>
    %dma_wait3A_373 = arith.constant 0 : i32
    %dma_wait3A_374 = tpu.memref_slice %arg3[%dma_wait3A_373, %add3A_370] : memref<2x320000xi32, #tpu.memory_space<hbm>> -> memref<2x128xi32, #tpu.memory_space<hbm>>
    tpu.wait_dma2 semaphore(%arg13 : memref<!tpu.dma_semaphore, #tpu.memory_space<semaphore_mem>>) src(%dma_wait3A_374 : memref<2x128xi32, #tpu.memory_space<hbm>>) dst(%arg7 : memref<2x128xi32, #tpu.memory_space<vmem>>)
    %dma_wait3A_375 = arith.constant 1 : i32
    %dma_wait3A_376 = arith.constant 0 : i32
    %dma_wait3A_377 = tpu.memref_slice %arg9[%dma_wait3A_375, %dma_wait3A_376] : memref<2x128xi32, #tpu.memory_space<vmem>> -> memref<1x128xi32, #tpu.memory_space<vmem>>
    %dma_wait3A_378 = tpu.memref_squeeze %dma_wait3A_377 : memref<1x128xi32, #tpu.memory_space<vmem>> -> memref<128xi32, #tpu.memory_space<vmem>>
    %dma_wait3A_379 = arith.constant 0 : i32
    %dma_wait3A_380 = arith.constant 0 : i32
    %dma_wait3A_381 = tpu.memref_slice %arg18[%dma_wait3A_379, %dma_wait3A_380] : memref<10000x128xf32, #tpu.memory_space<vmem_shared>> -> memref<10000x128xf32, #tpu.memory_space<vmem_shared>>
    tpu.wait_indirect_dma semaphore(%arg17 : memref<!tpu.dma_semaphore, #tpu.memory_space<semaphore_mem>>) src(%arg11 : memref<128x128xf32, #tpu.memory_space<vmem>>) dst(%dma_wait3A_381 : memref<10000x128xf32, #tpu.memory_space<vmem_shared>>)
    %dma_start3A_382 = arith.constant 0 : i32
    %dma_start3A_383 = arith.constant 0 : i32
    %dma_start3A_384 = tpu.memref_slice %arg7[%dma_start3A_382, %dma_start3A_383] : memref<2x128xi32, #tpu.memory_space<vmem>> -> memref<1x128xi32, #tpu.memory_space<vmem>>
    %dma_start3A_385 = tpu.memref_squeeze %dma_start3A_384 : memref<1x128xi32, #tpu.memory_space<vmem>> -> memref<128xi32, #tpu.memory_space<vmem>>
    %dma_start3A_386 = arith.constant 0 : i32
    %dma_start3A_387 = arith.constant 0 : i32
    %dma_start3A_388 = tpu.memref_slice %arg2[%dma_start3A_386, %dma_start3A_387] : memref<10000x128xf32, #tpu.memory_space<hbm>> -> memref<10000x128xf32, #tpu.memory_space<hbm>>
    tpu.enqueue_indirect_dma source(%dma_start3A_388 : memref<10000x128xf32, #tpu.memory_space<hbm>>) target(%arg11 : memref<128x128xf32, #tpu.memory_space<vmem>>) offsets(%dma_start3A_385 : memref<128xi32, #tpu.memory_space<vmem>>) semaphore(%arg17 : memref<!tpu.dma_semaphore, #tpu.memory_space<semaphore_mem>>)
    %dma_wait3A_389 = arith.constant 0 : i32
    %dma_wait3A_390 = arith.constant 0 : i32
    %dma_wait3A_391 = tpu.memref_slice %arg6[%dma_wait3A_389, %dma_wait3A_390] : memref<2x128xi32, #tpu.memory_space<vmem>> -> memref<1x128xi32, #tpu.memory_space<vmem>>
    %dma_wait3A_392 = tpu.memref_squeeze %dma_wait3A_391 : memref<1x128xi32, #tpu.memory_space<vmem>> -> memref<128xi32, #tpu.memory_space<vmem>>
    %dma_wait3A_393 = arith.constant 0 : i32
    %dma_wait3A_394 = arith.constant 0 : i32
    %dma_wait3A_395 = tpu.memref_slice %arg2[%dma_wait3A_393, %dma_wait3A_394] : memref<10000x128xf32, #tpu.memory_space<hbm>> -> memref<10000x128xf32, #tpu.memory_space<hbm>>
    tpu.wait_indirect_dma semaphore(%arg16 : memref<!tpu.dma_semaphore, #tpu.memory_space<semaphore_mem>>) src(%dma_wait3A_395 : memref<10000x128xf32, #tpu.memory_space<hbm>>) dst(%arg10 : memref<128x128xf32, #tpu.memory_space<vmem>>)
    %dma_start3A_396 = arith.constant 1 : i32
    %dma_start3A_397 = arith.constant 0 : i32
    %dma_start3A_398 = tpu.memref_slice %arg6[%dma_start3A_396, %dma_start3A_397] : memref<2x128xi32, #tpu.memory_space<vmem>> -> memref<1x128xi32, #tpu.memory_space<vmem>>
    %dma_start3A_399 = tpu.memref_squeeze %dma_start3A_398 : memref<1x128xi32, #tpu.memory_space<vmem>> -> memref<128xi32, #tpu.memory_space<vmem>>
    %dma_start3A_400 = arith.constant 0 : i32
    %dma_start3A_401 = arith.constant 0 : i32
    %dma_start3A_402 = tpu.memref_slice %arg18[%dma_start3A_400, %dma_start3A_401] : memref<10000x128xf32, #tpu.memory_space<vmem_shared>> -> memref<10000x128xf32, #tpu.memory_space<vmem_shared>>
    tpu.enqueue_indirect_dma source(%arg10 : memref<128x128xf32, #tpu.memory_space<vmem>>) target(%dma_start3A_402 : memref<10000x128xf32, #tpu.memory_space<vmem_shared>>) offsets(%dma_start3A_399 : memref<128xi32, #tpu.memory_space<vmem>>) semaphore(%arg16 : memref<!tpu.dma_semaphore, #tpu.memory_space<semaphore_mem>>) {add = true}
    %dma_wait3A_403 = arith.constant 1 : i32
    %dma_wait3A_404 = arith.constant 0 : i32
    %dma_wait3A_405 = tpu.memref_slice %arg6[%dma_wait3A_403, %dma_wait3A_404] : memref<2x128xi32, #tpu.memory_space<vmem>> -> memref<1x128xi32, #tpu.memory_space<vmem>>
    %dma_wait3A_406 = tpu.memref_squeeze %dma_wait3A_405 : memref<1x128xi32, #tpu.memory_space<vmem>> -> memref<128xi32, #tpu.memory_space<vmem>>
    %dma_wait3A_407 = arith.constant 0 : i32
    %dma_wait3A_408 = arith.constant 0 : i32
    %dma_wait3A_409 = tpu.memref_slice %arg18[%dma_wait3A_407, %dma_wait3A_408] : memref<10000x128xf32, #tpu.memory_space<vmem_shared>> -> memref<10000x128xf32, #tpu.memory_space<vmem_shared>>
    tpu.wait_indirect_dma semaphore(%arg16 : memref<!tpu.dma_semaphore, #tpu.memory_space<semaphore_mem>>) src(%arg10 : memref<128x128xf32, #tpu.memory_space<vmem>>) dst(%dma_wait3A_409 : memref<10000x128xf32, #tpu.memory_space<vmem_shared>>)
    %dma_wait3A_410 = arith.constant 0 : i32
    %dma_wait3A_411 = arith.constant 0 : i32
    %dma_wait3A_412 = tpu.memref_slice %arg7[%dma_wait3A_410, %dma_wait3A_411] : memref<2x128xi32, #tpu.memory_space<vmem>> -> memref<1x128xi32, #tpu.memory_space<vmem>>
    %dma_wait3A_413 = tpu.memref_squeeze %dma_wait3A_412 : memref<1x128xi32, #tpu.memory_space<vmem>> -> memref<128xi32, #tpu.memory_space<vmem>>
    %dma_wait3A_414 = arith.constant 0 : i32
    %dma_wait3A_415 = arith.constant 0 : i32
    %dma_wait3A_416 = tpu.memref_slice %arg2[%dma_wait3A_414, %dma_wait3A_415] : memref<10000x128xf32, #tpu.memory_space<hbm>> -> memref<10000x128xf32, #tpu.memory_space<hbm>>
    tpu.wait_indirect_dma semaphore(%arg17 : memref<!tpu.dma_semaphore, #tpu.memory_space<semaphore_mem>>) src(%dma_wait3A_416 : memref<10000x128xf32, #tpu.memory_space<hbm>>) dst(%arg11 : memref<128x128xf32, #tpu.memory_space<vmem>>)
    %dma_start3A_417 = arith.constant 1 : i32
    %dma_start3A_418 = arith.constant 0 : i32
    %dma_start3A_419 = tpu.memref_slice %arg7[%dma_start3A_417, %dma_start3A_418] : memref<2x128xi32, #tpu.memory_space<vmem>> -> memref<1x128xi32, #tpu.memory_space<vmem>>
    %dma_start3A_420 = tpu.memref_squeeze %dma_start3A_419 : memref<1x128xi32, #tpu.memory_space<vmem>> -> memref<128xi32, #tpu.memory_space<vmem>>
    %dma_start3A_421 = arith.constant 0 : i32
    %dma_start3A_422 = arith.constant 0 : i32
    %dma_start3A_423 = tpu.memref_slice %arg18[%dma_start3A_421, %dma_start3A_422] : memref<10000x128xf32, #tpu.memory_space<vmem_shared>> -> memref<10000x128xf32, #tpu.memory_space<vmem_shared>>
    tpu.enqueue_indirect_dma source(%arg11 : memref<128x128xf32, #tpu.memory_space<vmem>>) target(%dma_start3A_423 : memref<10000x128xf32, #tpu.memory_space<vmem_shared>>) offsets(%dma_start3A_420 : memref<128xi32, #tpu.memory_space<vmem>>) semaphore(%arg17 : memref<!tpu.dma_semaphore, #tpu.memory_space<semaphore_mem>>) {add = true}
    %dma_wait3A_424 = arith.constant 1 : i32
    %dma_wait3A_425 = arith.constant 0 : i32
    %dma_wait3A_426 = tpu.memref_slice %arg7[%dma_wait3A_424, %dma_wait3A_425] : memref<2x128xi32, #tpu.memory_space<vmem>> -> memref<1x128xi32, #tpu.memory_space<vmem>>
    %dma_wait3A_427 = tpu.memref_squeeze %dma_wait3A_426 : memref<1x128xi32, #tpu.memory_space<vmem>> -> memref<128xi32, #tpu.memory_space<vmem>>
    %dma_wait3A_428 = arith.constant 0 : i32
    %dma_wait3A_429 = arith.constant 0 : i32
    %dma_wait3A_430 = tpu.memref_slice %arg18[%dma_wait3A_428, %dma_wait3A_429] : memref<10000x128xf32, #tpu.memory_space<vmem_shared>> -> memref<10000x128xf32, #tpu.memory_space<vmem_shared>>
    tpu.wait_indirect_dma semaphore(%arg17 : memref<!tpu.dma_semaphore, #tpu.memory_space<semaphore_mem>>) src(%arg11 : memref<128x128xf32, #tpu.memory_space<vmem>>) dst(%dma_wait3A_430 : memref<10000x128xf32, #tpu.memory_space<vmem_shared>>)
    %jit3A = arith.constant 8 : i32
    %eq3A_431 = arith.constant 0 : i32
    %eq3A_432 = arith.cmpi eq, %jit3A, %eq3A_431 : i32
    %jit3A_433 = arith.constant 1 : i32
    %select_n3A = arith.select %eq3A_432, %jit3A_433, %jit3A : i32
    %rem3A = arith.remsi %add3A, %select_n3A : i32
    %ne3A = arith.constant 0 : i32
    %ne3A_434 = arith.cmpi ne, %rem3A, %ne3A : i32
    %lt3A = arith.constant 0 : i32
    %lt3A_435 = arith.cmpi slt, %rem3A, %lt3A : i32
    %lt3A_436 = arith.constant 0 : i32
    %lt3A_437 = arith.cmpi slt, %select_n3A, %lt3A_436 : i32
    %ne3A_438 = arith.xori %lt3A_435, %lt3A_437 : i1
    %and3A = arith.andi %ne3A_438, %ne3A_434 : i1
    %add3A_439 = arith.addi %rem3A, %select_n3A : i32
    %select_n3A_440 = arith.select %and3A, %add3A_439, %rem3A : i32
    %eq3A_441 = arith.constant 0 : i32
    %eq3A_442 = arith.cmpi eq, %select_n3A_440, %eq3A_441 : i32
    %jit3A_443 = arith.constant 8 : i32
    %div3A = arith.divsi %add3A, %jit3A_443 : i32
    %sign3A = arith.constant 0 : i32
    %sign3A_444 = arith.cmpi sgt, %add3A, %sign3A : i32
    %sign3A_445 = arith.extui %sign3A_444 : i1 to i32
    %sign3A_446 = arith.constant 0 : i32
    %sign3A_447 = arith.cmpi slt, %add3A, %sign3A_446 : i32
    %sign3A_448 = arith.extui %sign3A_447 : i1 to i32
    %sign3A_449 = arith.subi %sign3A_445, %sign3A_448 : i32
    %sign3A_450 = arith.constant 0 : i32
    %sign3A_451 = arith.cmpi sgt, %jit3A_443, %sign3A_450 : i32
    %sign3A_452 = arith.extui %sign3A_451 : i1 to i32
    %sign3A_453 = arith.constant 0 : i32
    %sign3A_454 = arith.cmpi slt, %jit3A_443, %sign3A_453 : i32
    %sign3A_455 = arith.extui %sign3A_454 : i1 to i32
    %sign3A_456 = arith.subi %sign3A_452, %sign3A_455 : i32
    %ne3A_457 = arith.cmpi ne, %sign3A_449, %sign3A_456 : i32
    %rem3A_458 = arith.remsi %add3A, %jit3A_443 : i32
    %ne3A_459 = arith.constant 0 : i32
    %ne3A_460 = arith.cmpi ne, %rem3A_458, %ne3A_459 : i32
    %and3A_461 = arith.andi %ne3A_457, %ne3A_460 : i1
    %sub3A = arith.constant 1 : i32
    %sub3A_462 = arith.subi %div3A, %sub3A : i32
    %select_n3A_463 = arith.select %and3A_461, %sub3A_462, %div3A : i32
    %lt3A_464 = arith.constant 4 : i32
    %lt3A_465 = arith.cmpi slt, %select_n3A_463, %lt3A_464 : i32
    %and3A_466 = arith.andi %eq3A_442, %lt3A_465 : i1
    %convert_element_type3A_467 = arith.extui %and3A_466 : i1 to i32
    %cond3A_468 = arith.constant 0 : i32
    %cond3A_469 = arith.cmpi ne, %convert_element_type3A_467, %cond3A_468 : i32
    scf.if %cond3A_469 {
      %jit3A_481 = arith.constant 8 : i32
      %div3A_482 = arith.divsi %add3A, %jit3A_481 : i32
      %sign3A_483 = arith.constant 0 : i32
      %sign3A_484 = arith.cmpi sgt, %add3A, %sign3A_483 : i32
      %sign3A_485 = arith.extui %sign3A_484 : i1 to i32
      %sign3A_486 = arith.constant 0 : i32
      %sign3A_487 = arith.cmpi slt, %add3A, %sign3A_486 : i32
      %sign3A_488 = arith.extui %sign3A_487 : i1 to i32
      %sign3A_489 = arith.subi %sign3A_485, %sign3A_488 : i32
      %sign3A_490 = arith.constant 0 : i32
      %sign3A_491 = arith.cmpi sgt, %jit3A_481, %sign3A_490 : i32
      %sign3A_492 = arith.extui %sign3A_491 : i1 to i32
      %sign3A_493 = arith.constant 0 : i32
      %sign3A_494 = arith.cmpi slt, %jit3A_481, %sign3A_493 : i32
      %sign3A_495 = arith.extui %sign3A_494 : i1 to i32
      %sign3A_496 = arith.subi %sign3A_492, %sign3A_495 : i32
      %ne3A_497 = arith.cmpi ne, %sign3A_489, %sign3A_496 : i32
      %rem3A_498 = arith.remsi %add3A, %jit3A_481 : i32
      %ne3A_499 = arith.constant 0 : i32
      %ne3A_500 = arith.cmpi ne, %rem3A_498, %ne3A_499 : i32
      %and3A_501 = arith.andi %ne3A_497, %ne3A_500 : i1
      %sub3A_502 = arith.constant 1 : i32
      %sub3A_503 = arith.subi %div3A_482, %sub3A_502 : i32
      %select_n3A_504 = arith.select %and3A_501, %sub3A_503, %div3A_482 : i32
      %mul3A_505 = arith.constant 128 : i32
      %mul3A_506 = arith.muli %select_n3A_504, %mul3A_505 : i32
      %add3A_507 = arith.constant 319488 : i32
      %add3A_508 = arith.addi %add3A_507, %mul3A_506 : i32
      "tpu.region"() ({
        %run_scoped3A_523 = tpu.sem_alloc : memref<!tpu.dma_semaphore, #tpu.memory_space<semaphore_mem>>
        %dma_start3A_524 = arith.constant 0 : i32
        %dma_start3A_525 = tpu.memref_slice %arg3[%dma_start3A_524, %add3A_508] : memref<2x320000xi32, #tpu.memory_space<hbm>> -> memref<2x128xi32, #tpu.memory_space<hbm>>
        %dma_start3A_526 = arith.constant 0 : i32
        %dma_start3A_527 = tpu.memref_slice %arg3[%dma_start3A_526, %add3A_508] : memref<2x320000xi32, #tpu.memory_space<hbm>> -> memref<2x128xi32, #tpu.memory_space<hbm>>
        tpu.enqueue_dma source(%dma_start3A_527 : memref<2x128xi32, #tpu.memory_space<hbm>>) target(%arg6 : memref<2x128xi32, #tpu.memory_space<vmem>>) target_semaphore(%run_scoped3A_523 : memref<!tpu.dma_semaphore, #tpu.memory_space<semaphore_mem>>)
        %dma_wait3A_528 = arith.constant 0 : i32
        %dma_wait3A_529 = tpu.memref_slice %arg3[%dma_wait3A_528, %add3A_508] : memref<2x320000xi32, #tpu.memory_space<hbm>> -> memref<2x128xi32, #tpu.memory_space<hbm>>
        %dma_wait3A_530 = arith.constant 0 : i32
        %dma_wait3A_531 = tpu.memref_slice %arg3[%dma_wait3A_530, %add3A_508] : memref<2x320000xi32, #tpu.memory_space<hbm>> -> memref<2x128xi32, #tpu.memory_space<hbm>>
        tpu.wait_dma2 semaphore(%run_scoped3A_523 : memref<!tpu.dma_semaphore, #tpu.memory_space<semaphore_mem>>) src(%dma_wait3A_531 : memref<2x128xi32, #tpu.memory_space<hbm>>) dst(%arg6 : memref<2x128xi32, #tpu.memory_space<vmem>>)
        tpu.yield
      }) : () -> ()
      %dma_start3A_509 = arith.constant 0 : i32
      %dma_start3A_510 = arith.constant 0 : i32
      %dma_start3A_511 = tpu.memref_slice %arg6[%dma_start3A_509, %dma_start3A_510] : memref<2x128xi32, #tpu.memory_space<vmem>> -> memref<1x128xi32, #tpu.memory_space<vmem>>
      %dma_start3A_512 = tpu.memref_squeeze %dma_start3A_511 : memref<1x128xi32, #tpu.memory_space<vmem>> -> memref<128xi32, #tpu.memory_space<vmem>>
      %dma_start3A_513 = arith.constant 0 : i32
      %dma_start3A_514 = arith.constant 0 : i32
      %dma_start3A_515 = tpu.memref_slice %arg2[%dma_start3A_513, %dma_start3A_514] : memref<10000x128xf32, #tpu.memory_space<hbm>> -> memref<10000x128xf32, #tpu.memory_space<hbm>>
      tpu.enqueue_indirect_dma source(%dma_start3A_515 : memref<10000x128xf32, #tpu.memory_space<hbm>>) target(%arg10 : memref<128x128xf32, #tpu.memory_space<vmem>>) offsets(%dma_start3A_512 : memref<128xi32, #tpu.memory_space<vmem>>) semaphore(%arg16 : memref<!tpu.dma_semaphore, #tpu.memory_space<semaphore_mem>>)
      %dma_wait3A_516 = arith.constant 0 : i32
      %dma_wait3A_517 = arith.constant 0 : i32
      %dma_wait3A_518 = tpu.memref_slice %arg6[%dma_wait3A_516, %dma_wait3A_517] : memref<2x128xi32, #tpu.memory_space<vmem>> -> memref<1x128xi32, #tpu.memory_space<vmem>>
      %dma_wait3A_519 = tpu.memref_squeeze %dma_wait3A_518 : memref<1x128xi32, #tpu.memory_space<vmem>> -> memref<128xi32, #tpu.memory_space<vmem>>
      %dma_wait3A_520 = arith.constant 0 : i32
      %dma_wait3A_521 = arith.constant 0 : i32
      %dma_wait3A_522 = tpu.memref_slice %arg2[%dma_wait3A_520, %dma_wait3A_521] : memref<10000x128xf32, #tpu.memory_space<hbm>> -> memref<10000x128xf32, #tpu.memory_space<hbm>>
      tpu.wait_indirect_dma semaphore(%arg16 : memref<!tpu.dma_semaphore, #tpu.memory_space<semaphore_mem>>) src(%dma_wait3A_522 : memref<10000x128xf32, #tpu.memory_space<hbm>>) dst(%arg10 : memref<128x128xf32, #tpu.memory_space<vmem>>)
      %run_scoped3A = arith.constant 1 : i32
      "tpu.region"() ({
        %run_scoped3A_523 = tpu.sem_alloc : memref<!tpu.dma_semaphore, #tpu.memory_space<semaphore_mem>>
        %dma_start3A_524 = arith.constant 0 : i32
        %dma_start3A_525 = tpu.memref_slice %arg6[%run_scoped3A, %dma_start3A_524] : memref<2x128xi32, #tpu.memory_space<vmem>> -> memref<1x128xi32, #tpu.memory_space<vmem>>
        %dma_start3A_526 = tpu.memref_squeeze %dma_start3A_525 : memref<1x128xi32, #tpu.memory_space<vmem>> -> memref<128xi32, #tpu.memory_space<vmem>>
        %dma_start3A_527 = arith.constant 0 : i32
        %dma_start3A_528 = arith.constant 0 : i32
        %dma_start3A_529 = tpu.memref_slice %arg18[%dma_start3A_527, %dma_start3A_528] : memref<10000x128xf32, #tpu.memory_space<vmem_shared>> -> memref<10000x128xf32, #tpu.memory_space<vmem_shared>>
        tpu.enqueue_indirect_dma source(%arg10 : memref<128x128xf32, #tpu.memory_space<vmem>>) target(%dma_start3A_529 : memref<10000x128xf32, #tpu.memory_space<vmem_shared>>) offsets(%dma_start3A_526 : memref<128xi32, #tpu.memory_space<vmem>>) semaphore(%run_scoped3A_523 : memref<!tpu.dma_semaphore, #tpu.memory_space<semaphore_mem>>) {add = true}
        %dma_wait3A_530 = arith.constant 0 : i32
        %dma_wait3A_531 = tpu.memref_slice %arg6[%run_scoped3A, %dma_wait3A_530] : memref<2x128xi32, #tpu.memory_space<vmem>> -> memref<1x128xi32, #tpu.memory_space<vmem>>
        %dma_wait3A_532 = tpu.memref_squeeze %dma_wait3A_531 : memref<1x128xi32, #tpu.memory_space<vmem>> -> memref<128xi32, #tpu.memory_space<vmem>>
        %dma_wait3A_533 = arith.constant 0 : i32
        %dma_wait3A_534 = arith.constant 0 : i32
        %dma_wait3A_535 = tpu.memref_slice %arg18[%dma_wait3A_533, %dma_wait3A_534] : memref<10000x128xf32, #tpu.memory_space<vmem_shared>> -> memref<10000x128xf32, #tpu.memory_space<vmem_shared>>
        tpu.wait_indirect_dma semaphore(%run_scoped3A_523 : memref<!tpu.dma_semaphore, #tpu.memory_space<semaphore_mem>>) src(%arg10 : memref<128x128xf32, #tpu.memory_space<vmem>>) dst(%dma_wait3A_535 : memref<10000x128xf32, #tpu.memory_space<vmem_shared>>)
        tpu.yield
      }) : () -> ()
    } else {
    }
    %barrier3A_470 = arith.constant 0 : index
    tpu.barrier barrier_id(%barrier3A_470)
    %eq3A_471 = arith.constant 0 : i32
    %eq3A_472 = arith.cmpi eq, %arg0, %eq3A_471 : i32
    %convert_element_type3A_473 = arith.extui %eq3A_472 : i1 to i32
    %cond3A_474 = arith.constant 0 : i32
    %cond3A_475 = arith.cmpi ne, %convert_element_type3A_473, %cond3A_474 : i32
    scf.if %cond3A_475 {
      %mul3A_481 = arith.constant 624 : i32
      %mul3A_482 = arith.muli %arg1, %mul3A_481 : i32
      %mul3A_483 = arith.constant 624 : i32
      %mul3A_484 = arith.muli %arg1, %mul3A_483 : i32
      "tpu.region"() ({
        %run_scoped3A = tpu.sem_alloc : memref<!tpu.dma_semaphore, #tpu.memory_space<semaphore_mem>>
        %dma_start3A_490 = arith.constant 0 : i32
        %dma_start3A_491 = tpu.memref_slice %arg4[%mul3A_484, %dma_start3A_490] : memref<10000x128xf32, #tpu.memory_space<hbm>> -> memref<624x128xf32, #tpu.memory_space<hbm>>
        %dma_start3A_492 = arith.constant 0 : i32
        %dma_start3A_493 = tpu.memref_slice %arg18[%mul3A_482, %dma_start3A_492] : memref<10000x128xf32, #tpu.memory_space<vmem_shared>> -> memref<624x128xf32, #tpu.memory_space<vmem_shared>>
        tpu.enqueue_dma source(%dma_start3A_493 : memref<624x128xf32, #tpu.memory_space<vmem_shared>>) target(%dma_start3A_491 : memref<624x128xf32, #tpu.memory_space<hbm>>) target_semaphore(%run_scoped3A : memref<!tpu.dma_semaphore, #tpu.memory_space<semaphore_mem>>)
        %dma_wait3A_494 = arith.constant 0 : i32
        %dma_wait3A_495 = tpu.memref_slice %arg4[%mul3A_484, %dma_wait3A_494] : memref<10000x128xf32, #tpu.memory_space<hbm>> -> memref<624x128xf32, #tpu.memory_space<hbm>>
        %dma_wait3A_496 = arith.constant 0 : i32
        %dma_wait3A_497 = tpu.memref_slice %arg18[%mul3A_482, %dma_wait3A_496] : memref<10000x128xf32, #tpu.memory_space<vmem_shared>> -> memref<624x128xf32, #tpu.memory_space<vmem_shared>>
        tpu.wait_dma2 semaphore(%run_scoped3A : memref<!tpu.dma_semaphore, #tpu.memory_space<semaphore_mem>>) src(%dma_wait3A_497 : memref<624x128xf32, #tpu.memory_space<vmem_shared>>) dst(%dma_wait3A_495 : memref<624x128xf32, #tpu.memory_space<hbm>>)
        tpu.yield
      }) : () -> ()
      %eq3A_485 = arith.constant 0 : i32
      %eq3A_486 = arith.cmpi eq, %arg1, %eq3A_485 : i32
      %convert_element_type3A_487 = arith.extui %eq3A_486 : i1 to i32
      %cond3A_488 = arith.constant 0 : i32
      %cond3A_489 = arith.cmpi ne, %convert_element_type3A_487, %cond3A_488 : i32
      scf.if %cond3A_489 {
        "tpu.region"() ({
          %run_scoped3A = tpu.sem_alloc : memref<!tpu.dma_semaphore, #tpu.memory_space<semaphore_mem>>
          %dma_start3A_490 = arith.constant 9984 : i32
          %dma_start3A_491 = arith.constant 0 : i32
          %dma_start3A_492 = tpu.memref_slice %arg4[%dma_start3A_490, %dma_start3A_491] : memref<10000x128xf32, #tpu.memory_space<hbm>> -> memref<16x128xf32, #tpu.memory_space<hbm>>
          %dma_start3A_493 = arith.constant 9984 : i32
          %dma_start3A_494 = arith.constant 0 : i32
          %dma_start3A_495 = tpu.memref_slice %arg18[%dma_start3A_493, %dma_start3A_494] : memref<10000x128xf32, #tpu.memory_space<vmem_shared>> -> memref<16x128xf32, #tpu.memory_space<vmem_shared>>
          tpu.enqueue_dma source(%dma_start3A_495 : memref<16x128xf32, #tpu.memory_space<vmem_shared>>) target(%dma_start3A_492 : memref<16x128xf32, #tpu.memory_space<hbm>>) target_semaphore(%run_scoped3A : memref<!tpu.dma_semaphore, #tpu.memory_space<semaphore_mem>>)
          %dma_wait3A_496 = arith.constant 9984 : i32
          %dma_wait3A_497 = arith.constant 0 : i32
          %dma_wait3A_498 = tpu.memref_slice %arg4[%dma_wait3A_496, %dma_wait3A_497] : memref<10000x128xf32, #tpu.memory_space<hbm>> -> memref<16x128xf32, #tpu.memory_space<hbm>>
          %dma_wait3A_499 = arith.constant 9984 : i32
          %dma_wait3A_500 = arith.constant 0 : i32
          %dma_wait3A_501 = tpu.memref_slice %arg18[%dma_wait3A_499, %dma_wait3A_500] : memref<10000x128xf32, #tpu.memory_space<vmem_shared>> -> memref<16x128xf32, #tpu.memory_space<vmem_shared>>
          tpu.wait_dma2 semaphore(%run_scoped3A : memref<!tpu.dma_semaphore, #tpu.memory_space<semaphore_mem>>) src(%dma_wait3A_501 : memref<16x128xf32, #tpu.memory_space<vmem_shared>>) dst(%dma_wait3A_498 : memref<16x128xf32, #tpu.memory_space<hbm>>)
          tpu.yield
        }) : () -> ()
      } else {
      }
    } else {
    }
    %eq3A_476 = arith.constant 1 : i32
    %eq3A_477 = arith.cmpi eq, %arg0, %eq3A_476 : i32
    %convert_element_type3A_478 = arith.extui %eq3A_477 : i1 to i32
    %cond3A_479 = arith.constant 0 : i32
    %cond3A_480 = arith.cmpi ne, %convert_element_type3A_478, %cond3A_479 : i32
    scf.if %cond3A_480 {
      %mul3A_481 = arith.constant 624 : i32
      %mul3A_482 = arith.muli %arg1, %mul3A_481 : i32
      %mul3A_483 = arith.constant 624 : i32
      %mul3A_484 = arith.muli %arg1, %mul3A_483 : i32
      "tpu.region"() ({
        %run_scoped3A = tpu.sem_alloc : memref<!tpu.dma_semaphore, #tpu.memory_space<semaphore_mem>>
        %dma_start3A_490 = arith.constant 0 : i32
        %dma_start3A_491 = tpu.memref_slice %arg5[%mul3A_484, %dma_start3A_490] : memref<10000x128xf32, #tpu.memory_space<hbm>> -> memref<624x128xf32, #tpu.memory_space<hbm>>
        %dma_start3A_492 = arith.constant 0 : i32
        %dma_start3A_493 = tpu.memref_slice %arg18[%mul3A_482, %dma_start3A_492] : memref<10000x128xf32, #tpu.memory_space<vmem_shared>> -> memref<624x128xf32, #tpu.memory_space<vmem_shared>>
        tpu.enqueue_dma source(%dma_start3A_493 : memref<624x128xf32, #tpu.memory_space<vmem_shared>>) target(%dma_start3A_491 : memref<624x128xf32, #tpu.memory_space<hbm>>) target_semaphore(%run_scoped3A : memref<!tpu.dma_semaphore, #tpu.memory_space<semaphore_mem>>)
        %dma_wait3A_494 = arith.constant 0 : i32
        %dma_wait3A_495 = tpu.memref_slice %arg5[%mul3A_484, %dma_wait3A_494] : memref<10000x128xf32, #tpu.memory_space<hbm>> -> memref<624x128xf32, #tpu.memory_space<hbm>>
        %dma_wait3A_496 = arith.constant 0 : i32
        %dma_wait3A_497 = tpu.memref_slice %arg18[%mul3A_482, %dma_wait3A_496] : memref<10000x128xf32, #tpu.memory_space<vmem_shared>> -> memref<624x128xf32, #tpu.memory_space<vmem_shared>>
        tpu.wait_dma2 semaphore(%run_scoped3A : memref<!tpu.dma_semaphore, #tpu.memory_space<semaphore_mem>>) src(%dma_wait3A_497 : memref<624x128xf32, #tpu.memory_space<vmem_shared>>) dst(%dma_wait3A_495 : memref<624x128xf32, #tpu.memory_space<hbm>>)
        tpu.yield
      }) : () -> ()
      %eq3A_485 = arith.constant 0 : i32
      %eq3A_486 = arith.cmpi eq, %arg1, %eq3A_485 : i32
      %convert_element_type3A_487 = arith.extui %eq3A_486 : i1 to i32
      %cond3A_488 = arith.constant 0 : i32
      %cond3A_489 = arith.cmpi ne, %convert_element_type3A_487, %cond3A_488 : i32
      scf.if %cond3A_489 {
        "tpu.region"() ({
          %run_scoped3A = tpu.sem_alloc : memref<!tpu.dma_semaphore, #tpu.memory_space<semaphore_mem>>
          %dma_start3A_490 = arith.constant 9984 : i32
          %dma_start3A_491 = arith.constant 0 : i32
          %dma_start3A_492 = tpu.memref_slice %arg5[%dma_start3A_490, %dma_start3A_491] : memref<10000x128xf32, #tpu.memory_space<hbm>> -> memref<16x128xf32, #tpu.memory_space<hbm>>
          %dma_start3A_493 = arith.constant 9984 : i32
          %dma_start3A_494 = arith.constant 0 : i32
          %dma_start3A_495 = tpu.memref_slice %arg18[%dma_start3A_493, %dma_start3A_494] : memref<10000x128xf32, #tpu.memory_space<vmem_shared>> -> memref<16x128xf32, #tpu.memory_space<vmem_shared>>
          tpu.enqueue_dma source(%dma_start3A_495 : memref<16x128xf32, #tpu.memory_space<vmem_shared>>) target(%dma_start3A_492 : memref<16x128xf32, #tpu.memory_space<hbm>>) target_semaphore(%run_scoped3A : memref<!tpu.dma_semaphore, #tpu.memory_space<semaphore_mem>>)
          %dma_wait3A_496 = arith.constant 9984 : i32
          %dma_wait3A_497 = arith.constant 0 : i32
          %dma_wait3A_498 = tpu.memref_slice %arg5[%dma_wait3A_496, %dma_wait3A_497] : memref<10000x128xf32, #tpu.memory_space<hbm>> -> memref<16x128xf32, #tpu.memory_space<hbm>>
          %dma_wait3A_499 = arith.constant 9984 : i32
          %dma_wait3A_500 = arith.constant 0 : i32
          %dma_wait3A_501 = tpu.memref_slice %arg18[%dma_wait3A_499, %dma_wait3A_500] : memref<10000x128xf32, #tpu.memory_space<vmem_shared>> -> memref<16x128xf32, #tpu.memory_space<vmem_shared>>
          tpu.wait_dma2 semaphore(%run_scoped3A : memref<!tpu.dma_semaphore, #tpu.memory_space<semaphore_mem>>) src(%dma_wait3A_501 : memref<16x128xf32, #tpu.memory_space<vmem_shared>>) dst(%dma_wait3A_498 : memref<16x128xf32, #tpu.memory_space<hbm>>)
          tpu.yield
        }) : () -> ()
      } else {
      }
    } else {
    }
    return
  }
}

</mosaic_0001>

<sc_bundles>
// kernel: _sc_agg_parts.3.cloned.1.call-start
scs
__scs_entry_jumppad:
0x0: {  	(pc) =	sbr.rel $0x88, $3  }
0x1: {  	(tag) =	ssettag $0x0;
	lr =	simm.s32 $0x1  }
0x2: {  	[smem:$0x3F9F] =	sst lr;
	_ =	strace $0xD0000000  }
0x3: {  	_ = 	snop  }
0x4: {  	_ = 	snop  }
0x5: {  	_ = 	snop  }
0x6: {  	_ = 	snop  }
0x7: {  	_ = 	snop  }
__scs_overlays_trampoline_lowered:
0x8: {  	[smem:$0x3FAE] =	sst s0  }
0x9: {  	[smem:$0x3FAF] =	sst s1  }
0xa: {  	[smem:$0x3FB0] =	sst s2  }
0xb: {  	[smem:$0x3FB1] =	sst s3  }
0xc: {  	[smem:$0x3FB2] =	sst s4  }
0xd: {  	[smem:$0x3FB3] =	sst s5  }
0xe: {  	[smem:$0x3FB4] =	sst s6  }
0xf: {  	[smem:$0x3FB5] =	sst s7  }
0x10: {  	[smem:$0x3FB6] =	sst s8  }
0x11: {  	[smem:$0x3FB7] =	sst s9;
	s0 =	simm.s32 @!p0 $0x0  }
0x12: {  	s1 =	sld [smem:$0x3F9D];
	s0 =	simm.s32 @p0 $0x1  }
0x13: {  	[smem:$0x3FB8] =	sst s0;
	s0 =	simm.s32 @!p1 $0x0  }
0x14: {  	s2 =	sld [smem:$0x3F9C];
	s0 =	simm.s32 @p1 $0x1  }
0x15: {  	[smem:$0x3FB9] =	sst s0;
	s0 =	simm.s32 @!p2 $0x0  }
0x16: {  	s3 =	sld [smem:$0x3FDB];
	s0 =	simm.s32 @p2 $0x1  }
0x17: {  	s4 =	simm.s32 $0x1BF5;
	[smem:$0x3FBB] =	sst s0  }
0x18: {  	s0 =	sld [smem:$0x3F9E];
	_ =	swait.ge [sflag:s4], $0x0  }
0x19: {  	s7 =	sld [smem:$0x3F9F]  }
0x1a: {  	s8 =	sadd.s32 $0xFFFFE003, lr  }
0x1b: {  	s9 =	sadd.s32 $0xFFFFFEF7, lr;
	s5 =	simm.s32 $0xFFFFFFFF;
	p2 =	slt.u32 s8, $0xFFFFF086  }
0x1c: {  	p1 =	slt.u32 s9, $0xF7A;
	s5 =	simm.s32 @!p2 $0x0  }
0x1d: {  	s5 =	simm.s32 @p1 $0x1;
	p0 =	seq.s32 s7, s2  }
0x1e: {  	s7 =	smul.u32 @!p0 $0xF7A, s2;
	p2 =	seq.s32 @!p0 s5, $0x0  }
0x1f: {  	s9 =	smul.u32 $0xF7A, s1;
	s8 =	simm.s32 @!p0 $0x1BF5;
	p2 =	por !p2, p0  }
0x20: {  	[sflag:s8] =	ssyncset.s32 @!p0 $0xFFFFF086;
	s6 =	sadd.s32 @!p0 s3, s7;
	s7 =	simm.s32 @!p0 $0x108  }
0x21: {  	s3 =	sadd.s32 s3, s9;
	s6 =	sadd.s32 @!p0 $0x88, s6;
	s7 =	simm.s32 @p2 $0x1082  }
0x22: {  	[simem:s7], [sflag:s8] =	dma.local @!p0 [hbm:s6], $0xF7A  }
0x23: {  	s9 =	sor.u32 $0xD0000000, s2;
	s6 =	simm.s32 $0x108;
	_ =	swait.ge @!p0 [sflag:s8], $0x0  }
0x24: {  	s3 =	sadd.s32 $0x88, s3;
	s6 =	simm.s32 @!p1 $0x1082;
	[sflag:s4] =	ssyncset.s32 $0xFFFFF086  }
0x25: {  	[simem:s6], [sflag:s4] =	dma.local [hbm:s3], $0xF7A  }
0x26: {  	[smem:$0x3F9F] =	sst s1;
	(tag) =	ssettag s2;
	_ =	strace s9  }
0x27: {  	s1 =	sld [smem:$0x3FAF]  }
0x28: {  	s2 =	sld [smem:$0x3FB0]  }
0x29: {  	s4 =	sld [smem:$0x3FB2]  }
0x2a: {  	p0 =	seq.s32 s5, $0x0;
	s5 =	sld [smem:$0x3FB3]  }
0x2b: {  	s6 =	sld [smem:$0x3FB4]  }
0x2c: {  	s7 =	sld [smem:$0x3FB5]  }
0x2d: {  	s3 =	simm.s32 $0x108;
	s8 =	sld [smem:$0x3FB6]  }
0x2e: {  	s3 =	simm.s32 @!p0 $0x1082;
	s9 =	sld [smem:$0x3FB7]  }
0x2f: {  	lr =	sadd.s32 s0, s3;
	s0 =	sld [smem:$0x3FAE]  }
0x30: {  	s3 =	sld [smem:$0x3FB1]  }
0x31: {  	[smem:$0x3FBA] =	sst s10  }
0x32: {  	s10 =	sld [smem:$0x3FB8];
	_ =	sdelay $0x3  }
0x33: {  	p0 =	seq.s32 s10, $0x1;
	s10 =	sld [smem:$0x3FBA];
	_ =	sdelay $0x3  }
0x34: {  	[smem:$0x3FBA] =	sst s10  }
0x35: {  	s10 =	sld [smem:$0x3FB9];
	_ =	sdelay $0x3  }
0x36: {  	p1 =	seq.s32 s10, $0x1;
	s10 =	sld [smem:$0x3FBA];
	_ =	sdelay $0x3  }
0x37: {  	[smem:$0x3FBA] =	sst s10  }
0x38: {  	s10 =	sld [smem:$0x3FBB]  }
0x39: {  	_ = 	snop;
	(pc) =	sbr.ind lr, $3  }
0x3a: {  	_ = 	snop  }
0x3b: {  	_ = 	snop  }
0x3c: {  	p2 =	seq.s32 s10, $0x1;
	s10 =	sld [smem:$0x3FBA]  }
0x3d: {  	_ =	shalt  }
0x3e: {  	_ =	shalt  }
0x3f: {  	_ =	shalt  }
0x40: {  	_ =	shalt  }
0x41: {  	_ =	shalt  }
0x42: {  	_ =	shalt  }
0x43: {  	_ =	shalt  }
0x44: {  	_ =	shalt  }
0x45: {  	_ =	shalt  }
0x46: {  	_ =	shalt  }
0x47: {  	_ =	shalt  }
0x48: {  	_ =	shalt  }
0x49: {  	_ =	shalt  }
0x4a: {  	_ =	shalt  }
0x4b: {  	_ =	shalt  }
0x4c: {  	_ =	shalt  }
0x4d: {  	_ =	shalt  }
0x4e: {  	_ =	shalt  }
0x4f: {  	_ =	shalt  }
0x50: {  	_ =	shalt  }
0x51: {  	_ =	shalt  }
0x52: {  	_ =	shalt  }
0x53: {  	_ =	shalt  }
0x54: {  	_ =	shalt  }
0x55: {  	_ =	shalt  }
0x56: {  	_ =	shalt  }
0x57: {  	_ =	shalt  }
0x58: {  	_ =	shalt  }
0x59: {  	_ =	shalt  }
0x5a: {  	_ =	shalt  }
0x5b: {  	_ =	shalt  }
0x5c: {  	_ =	shalt  }
0x5d: {  	_ =	shalt  }
0x5e: {  	_ =	shalt  }
0x5f: {  	_ =	shalt  }
0x60: {  	_ =	shalt  }
0x61: {  	_ =	shalt  }
0x62: {  	_ =	shalt  }
0x63: {  	_ =	shalt  }
0x64: {  	_ =	shalt  }
0x65: {  	_ =	shalt  }
0x66: {  	_ =	shalt  }
0x67: {  	_ =	shalt  }
0x68: {  	_ =	shalt  }
0x69: {  	_ =	shalt  }
0x6a: {  	_ =	shalt  }
0x6b: {  	_ =	shalt  }
0x6c: {  	_ =	shalt  }
0x6d: {  	_ =	shalt  }
0x6e: {  	_ =	shalt  }
0x6f: {  	_ =	shalt  }
0x70: {  	_ =	shalt  }
0x71: {  	_ =	shalt  }
0x72: {  	_ =	shalt  }
0x73: {  	_ =	shalt  }
0x74: {  	_ =	shalt  }
0x75: {  	_ =	shalt  }
0x76: {  	_ =	shalt  }
0x77: {  	_ =	shalt  }
0x78: {  	_ =	shalt  }
0x79: {  	_ =	shalt  }
0x7a: {  	_ =	shalt  }
0x7b: {  	_ =	shalt  }
0x7c: {  	_ =	shalt  }
0x7d: {  	_ =	shalt  }
0x7e: {  	_ =	shalt  }
0x7f: {  	_ =	shalt  }
0x80: {  	_ =	shalt  }
0x81: {  	_ =	shalt  }
0x82: {  	_ =	shalt  }
0x83: {  	_ =	shalt  }
0x84: {  	_ =	shalt  }
0x85: {  	_ =	shalt  }
0x86: {  	_ =	shalt  }
0x87: {  	_ =	shalt  }
.Lfunc_end0:
.L_simem_size_0:
called_computation_lowered:
.L_overlay_start_0:
0x88: {  	s2 =	sld [smem:$0x3FD9]  }
0x89: {  	s3 =	sld [smem:$0x3FFE];
	_ =	sdelay $0x1  }
0x8a: {  	s1 =	srdreg.scid  }
0x8b: {  	s0 =	sand.u32 $0x1, s1  }
0x8c: {  	s15 =	sshll.u32 s0, $0xA;
	s2 =	sadd.s32 s3, s2  }
0x8d: {  	s2 =	sadd.s32 s2, s15  }
0x8e: {  	[smem:$0x3FC6] =	sst s2  }
0x8f: {  	_ = 	snop  }
0x90: {  	s2 =	sld [smem:$0x3FD0];
	_ =	sdelay $0x1  }
0x91: {  	s16 =	sld [smem:$0x3FC9]  }
0x92: {  	s5 =	simm.s32 $0xA;
	s6 =	simm.s32 $0x10;
	s4 =	sld [smem:$0x3FC8]  }
0x93: {  	[smem:s6], [sflag:s5] =	dma.local [hbm:s2], $0x1  }
0x94: {  	_ =	swait.eq [sflag:s5], $0x1  }
0x95: {  	[sflag:s5] =	ssyncset.done $0x0  }
0x96: {  	s17 =	sld [smem:$0x10];
	[sflag:s5] =	ssyncadd.s32 $0xFFFFFFFF  }
0x97: {  	s18 =	sld [smem:$0x11];
	(tm) =	ssettm $0x1  }
0x98: {  	s19 =	sld [smem:$0x3FFB];
	_ =	sdelay $0x3  }
0x99: {  	_ =	strace s19  }
0x9a: {  	s6 =	sld [smem:$0x3FFC];
	_ =	sdelay $0x3  }
0x9b: {  	_ =	strace s6  }
0x9c: {  	s6 =	sld [smem:$0x3FFD];
	_ =	sdelay $0x3  }
0x9d: {  	_ =	strace s6  }
0x9e: {  	_ =	strace $0x8FFFFFFF  }
0x9f: {  	s20 =	sld [smem:$0x3FDB];
	_ =	sdelay $0x1  }
0xa0: {  	s7 =	simm.s32 $_scs_section_size  }
0xa1: {  	s8 =	simm.s32 $_size__tile_overlayer_lowered;
	s9 =	simm.s32 $_tile_overlayer_lowered  }
0xa2: {  	s23 =	simm.s32 $0x1BFF;
	s22 =	sshll.u32 s9, $0x1;
	s6 =	sadd.s32 s7, s20  }
0xa3: {  	s10 =	simm.s32 $0x0;
	s21 =	sshll.u32 s8, $0x1;
	s8 =	sadd.s32 s22, s6  }
0xa4: {  	[timem:s10], [sflag:s23] =	dma.local [hbm:s8], s21  }
0xa5: {  	_ =	swait.ge [sflag:s23], s21  }
0xa6: {  	s7 =	ssub.s32 $0x0, s21;
	[sflag:s23] =	ssyncset.done $0x0  }
0xa7: {  	[sflag:s23] =	ssyncadd.s32 s7;
	_ =	sdelay $0x1  }
0xa8: {  	s24 =	simm.s32 $0x1B8B  }
0xa9: {  	_ =	swait.ge [sflag:s24], $0x1  }
0xaa: {  	[sflag:s24] =	ssyncset.done $0x0  }
0xab: {  	s25 =	simm.s32 $0x1B8E;
	[sflag:s24] =	ssyncadd.s32 $0xFFFFFFFF  }
0xac: {  	s26 =	simm.s32 $execute0_lowered;
	[smem:$0x3FD2] =	sst s25  }
0xad: {  	s7 =	sshll.u32 s26, $0x1;
	_ =	strace $0x80000046;
	[dreg:$0x1] =	wrdreg $0xFFFFFFFF  }
0xae: {  	s28 =	simm.s32 $_size_execute0_lowered;
	s6 =	sadd.s32 s6, s7;
	[dreg:$0x0] =	wrdreg $0x0  }
0xaf: {  	s7 =	sshll.u32 s28, $0x1;
	[dreg:$0x2] =	wrdreg s6  }
0xb0: {  	[dreg:$0x3] =	wrdreg s7  }
0xb1: {  	[dreg:$0x4] =	wrdreg $0xC0  }
0xb2: {  	_ =	task [dreg:s10], $0x5FFFF  }
0xb3: {  	[dreg:$0x1] =	wrdreg $0xFFFFFFFF  }
0xb4: {  	[dreg:$0x0] =	wrdreg $0x60  }
0xb5: {  	[dreg:$0x2] =	wrdreg s16  }
0xb6: {  	[dreg:$0x3] =	wrdreg s4  }
0xb7: {  	[dreg:$0x4] =	wrdreg s17  }
0xb8: {  	[dreg:$0x5] =	wrdreg s18  }
0xb9: {  	[dreg:$0x6] =	wrdreg $0x84000  }
0xba: {  	[dreg:$0x7] =	wrdreg $0x9  }
0xbb: {  	_ =	task.clear_ibuf [dreg:s10], $0x8FFFF;
	_ =	strace $0x90000046  }
0xbc: {  	s29 =	simm.s32 $0x9;
	_ =	strace $0x80000048  }
0xbd: {  	_ =	swait.ge [sflag:s29], $0x1  }
0xbe: {  	[sflag:s29] =	ssyncadd.s32 $0xFFFFFFFF  }
0xbf: {  	_ =	strace $0x90000048  }
0xc0: {  	_ =	sfence  }
0xc1: {  	s30 =	sld [smem:$0x0];
	_ =	sdelay $0x2  }
0xc2: {  	s31 =	sshll.u32 s1, $0xD;
	s1 =	sshrl.u32 s1, $0x2  }
0xc3: {  	s3 =	sand.u32 $0x4000, s31;
	s1 =	sadd.s32 s1, s30  }
0xc4: {  	s0 =	sor.u32 s3, s0;
	s1 =	sshll.u32 s1, $0x11  }
0xc5: {  	s0 =	sor.u32 s1, s0  }
0xc6: {  	s0 =	sadd.s32 $0x8F2B, s0  }
0xc7: {  	[sflag:s0] =	ssyncadd.remote.s32 $0x1  }
0xc8: {  	_ =	sfence.sel $0xFFFF  }
0xc9: {  	[dreg:$0x0] =	wrdreg $0xFFFFFFFF;
	(pc) =	sbr.abs _section_cstart, $3  }
0xca: {  	[dreg:$0x1] =	wrdreg $0xFFFFFFFF  }
0xcb: {  	_ =	task.clear_ibuf [dreg:s10], $0x2FFFF;
	_ =	strace $0x9FFFFFFF  }
0xcc: {  	(tm) =	ssettm $0x7FFFFFFF  }
0xcd: {  	_ =	shalt  }
tec
execute0_lowered:
.L_overlay_start_1:
0x0: {  	(tag) =	ssettag $0x1  }
0x1: {  	s0 =	rddreg [dreg:$0x0]  }
0x2: {  	s1 =	rddreg [dreg:$0x1]  }
0x3: {  	s12 =	rddreg [dreg:$0x2]  }
0x4: {  	s13 =	rddreg [dreg:$0x3]  }
0x5: {  	s2 =	srdreg.scid;
	s4 =	rddreg [dreg:$0x4]  }
0x6: {  	s14 =	stileid.u32;
	s6 =	simm.s32 $0x0;
	s2 =	sand.u32 $0x1, s2  }
0x7: {  	[smem:$0x7FF] =	sst s6;
	s17 =	smul.u32 $0x4E000, s14;
	p1 =	sne.s32 s14, $0x0  }
0x8: {  	p3 =	seq.s32 s14, $0x0;
	s31 =	sadd.s32 $0x138000, s4;
	s3 =	sshll.u32 s2, $0x4  }
0x9: {  	s5 =	ssub.s32 $0x2, s2;
	s20 =	smul.u32 $0x27000, s2;
	s3 =	sor.u32 s14, s3  }
0xa: {  	_ =	strace $0x80000047;
	p0 =	seq.s32 s2, $0x1;
	s7 =	smul.u32 $0x9C0, s3  }
0xb: {  	s8 =	sshrl.u32 s5, $0x1;
	s9 =	smul.u32 $0x4E00, s3;
	s3 =	sshll.u32 s3, $0x2  }
0xc: {  	s5 =	ssub.s32 s5, s8;
	s8 =	sshrl.u32 s17, $0x2;
	s3 =	sadd.s32 s3, s1  }
0xd: {  	s10 =	sadd.s32 s1, s7;
	s16 =	sshrl.u32 s9, $0x3;
	s9 =	smul.u32 $0x2700, s14  }
0xe: {  	[dreg:$0x6] =	wrdreg s10;
	s18 =	sadd.s32 $0x20, s10;
	s7 =	sadd.s32 s1, s16  }
0xf: {  	s16 =	sand.u32 $0x7, s14;
	[dreg:$0x7] =	wrdreg s18;
	s19 =	sadd.s32 $0x40, s7  }
0x10: {  	s14 =	simm.s32 $0x6;
	s11 =	sadd.s32 $0x60, s7;
	[dreg:$0x8] =	wrdreg s19  }
0x11: {  	s21 =	sadd.s32 $0x80, s7;
	s22 =	sadd.s32 $0xA0, s7;
	[dreg:$0x9] =	wrdreg s11  }
0x12: {  	s23 =	sadd.s32 $0xC0, s7;
	s24 =	sadd.s32 s9, s20;
	[dreg:$0xa] =	wrdreg s21  }
0x13: {  	s25 =	sadd.s32 $0x960, s7;
	s15 =	sadd.s32 $0x980, s7;
	[dreg:$0xb] =	wrdreg s22  }
0x14: {  	p2 =	sne.s32 s16, $0x0;
	s16 =	simm.s32 $0x280;
	[dreg:$0xc] =	wrdreg s23  }
0x15: {  	s11 =	sadd.s32 s8, s4;
	[dreg:$0xd] =	wrdreg s25;
	s26 =	sadd.s32 $0x500, s24  }
0x16: {  	[dreg:$0xe] =	wrdreg s15;
	s28 =	sadd.s32 $0x480, s24;
	s29 =	sadd.s32 $0x400, s24  }
0x17: {  	s8 =	sadd.s32 $0x380, s24;
	s21 =	sadd.s32 $0x9A0, s7;
	s22 =	sadd.s32 $0x13800, s3  }
0x18: {  	s23 =	sadd.s32 s12, s9;
	s24 =	sadd.s32 s13, s9;
	s25 =	smax.u32 s5, $0x1  }
0x19: {  	s3 =	simm.s32 $0x300;
	s5 =	simm.s32 $0x400;
	[dreg:$0xf] =	wrdreg s21  }
0x1a: {  	s9 =	simm.s32 $0x7;
	s12 =	simm.s32 $0x5;
	[dreg:$0x10] =	wrdreg s22  }
0x1b: {  	s13 =	simm.s32 $0x3;
	s7 =	simm.s32 $0x180;
	[dreg:$0x11] =	wrdreg s23  }
0x1c: {  	s10 =	sshrl.u32 s26, $0x2;
	s2 =	sshrl.u32 s28, $0x2;
	[dreg:$0x12] =	wrdreg s24  }
0x1d: {  	s15 =	sshrl.u32 s29, $0x2;
	s8 =	sshrl.u32 s8, $0x2;
	[dreg:$0x13] =	wrdreg s25  }
0x1e: {  	s26 =	sadd.s32 $0x4000, s11;
	s28 =	sadd.s32 $0x8000, s11;
	s29 =	sadd.s32 $0xC000, s11  }
0x1f: {  	s30 =	sadd.s32 $0x10000, s11;
	s23 =	simm.s32 $0x1;
	s24 =	simm.s32 $0x80  }
.Ltmp0:
0x20: {  	s21 =	simm.s32 $0x380;
	s22 =	simm.s32 $0x0;
	(pc) =	sbr.rel .LBB2_1-.Ltmp0, $4  }
0x21: {  	s17 =	sadd.s32 s10, s1;
	s18 =	sadd.s32 s2, s1;
	[dreg:$0x14] =	wrdreg s26  }
0x22: {  	s19 =	sadd.s32 s15, s1;
	s20 =	sadd.s32 s8, s1;
	[dreg:$0x15] =	wrdreg s28  }
0x23: {  	[dreg:$0x16] =	wrdreg s29;
	s2 =	simm.s32 $0x100;
	s1 =	simm.s32 $0x200  }
0x24: {  	v0 =	vimm.f32 $0.0e+00;
	s8 =	simm.s32 $0x4400;
	s10 =	simm.s32 $0x2;
	s15 =	simm.s32 $0x4  }
.LBB2_8:
0x25: {  	s26 =	sadd.s32 $0x27000, s26;
	s28 =	sshrl.u32 s31, $0x3  }
0x26: {  	[hbm:s26], [sflag:s25] =	dma.local [spmem:s28], $0x100  }
0x27: {  	_ =	swait.ge [sflag:s9], $0x100  }
0x28: {  	[sflag:s9] =	ssyncset.done $0x0  }
0x29: {  	[sflag:s9] =	ssyncadd.s32 $0xFFFFFF00  }
.LBB2_9:
0x2a: {  	s22 =	sadd.s32 $0x1, s22;
	s25 =	rddreg [dreg:$0x13]  }
0x2b: {  	p4 =	sne.s32 s22, s25  }
.Ltmp1:
0x2c: {  	_ = 	snop;
	(pc) =	sbr.rel @!p4 .LBB2_10-.Ltmp1, $1  }
0x2d: {  	_ =	sdelay $0x3  }
.LBB2_1:
0x2e: {  	s25 =	rddreg [dreg:$0x6]  }
0x2f: {  	[tilespmem:s6], [sflag:$0x1] =	stream.linear.gather [hbm4b:s25+s6], $0x100, $0x38;
	[tilespmem:$0x1BC80] =	vst v63  }
0x30: {  	s26 =	rddreg [dreg:$0x7]  }
0x31: {  	[tilespmem:s2], [sflag:$0x2] =	stream.linear.gather [hbm4b:s26+s6], $0x100, $0x38;
	[tilespmem:$0x1BC80] =	vst v63  }
0x32: {  	s28 =	rddreg [dreg:$0x8]  }
0x33: {  	[tilespmem:s1], [sflag:$0x3] =	stream.linear.gather [hbm4b:s28+s6], $0x100, $0x38;
	[tilespmem:$0x1BC80] =	vst v63  }
0x34: {  	s29 =	rddreg [dreg:$0x9]  }
0x35: {  	[tilespmem:s3], [sflag:$0x4] =	stream.linear.gather [hbm4b:s29+s6], $0x100, $0x38;
	[tilespmem:$0x1BC80] =	vst v63  }
0x36: {  	_ =	swait.ge [sflag:s23], $0x100  }
0x37: {  	[sflag:s23] =	ssyncset.done $0x0  }
0x38: {  	s25 =	simm.s32 $0x0;
	s26 =	simm.s32 $0x200;
	[sflag:s23] =	ssyncadd.s32 $0xFFFFFF00  }
0x39: {  	[tilespmem:s5], [sflag:$0x5] =	stream.indirect.gather [hbm4b:s0+s24], $0x80, s6, s24, $0xb8;
	[tilespmem:$0x1BC80] =	vst v63  }
.LBB2_2:
0x3a: {  	p4 =	sne.s32 s26, $0xFE00;
	[tilespmem:s25+$0x4470] =	vst v0  }
0x3b: {  	[tilespmem:s25+$0x4400] =	vst v0  }
0x3c: {  	[tilespmem:s25+$0x4410] =	vst v0  }
.Ltmp2:
0x3d: {  	[tilespmem:s25+$0x4420] =	vst v0;
	(pc) =	sbr.rel @p4 .LBB2_2-.Ltmp2, $4  }
0x3e: {  	[tilespmem:s25+$0x4430] =	vst v0  }
0x3f: {  	[tilespmem:s25+$0x4440] =	vst v0  }
0x40: {  	[tilespmem:s25+$0x4450] =	vst v0  }
0x41: {  	[tilespmem:s25+$0x4460] =	vst v0;
	s25 =	sshra.s32 s26, $0x2;
	s26 =	sadd.s32 $0x200, s26  }
0x42: {  	[tilespmem:s25+$0x4470] =	vst v0  }
0x43: {  	[tilespmem:s25+$0x4400] =	vst v0  }
0x44: {  	[tilespmem:s25+$0x4410] =	vst v0  }
0x45: {  	[tilespmem:s25+$0x4420] =	vst v0  }
0x46: {  	[tilespmem:s25+$0x4430] =	vst v0  }
0x47: {  	[tilespmem:s25+$0x4440] =	vst v0  }
0x48: {  	[tilespmem:s25+$0x4450] =	vst v0  }
0x49: {  	[tilespmem:s25+$0x4460] =	vst v0  }
0x4a: {  	[spmem:s11] =	stream.linear.scatter [tilespmem:s8], [sflag:$0x7], $0x4000, $0x38;
	[tilespmem:$0x1BC80] =	vst v63  }
0x4b: {  	_ =	swait.ge [sflag:s9], $0x4000  }
0x4c: {  	[sflag:s9] =	ssyncset.done $0x0  }
0x4d: {  	s29 =	rddreg [dreg:$0x14];
	[sflag:s9] =	ssyncadd.s32 $0xFFFFC000  }
0x4e: {  	[spmem:s29] =	stream.linear.scatter [tilespmem:s8], [sflag:$0x7], $0x4000, $0x38;
	[tilespmem:$0x1BC80] =	vst v63  }
0x4f: {  	_ =	swait.ge [sflag:s9], $0x4000  }
0x50: {  	[sflag:s9] =	ssyncset.done $0x0  }
0x51: {  	s26 =	rddreg [dreg:$0x15];
	[sflag:s9] =	ssyncadd.s32 $0xFFFFC000  }
0x52: {  	[spmem:s26] =	stream.linear.scatter [tilespmem:s8], [sflag:$0x7], $0x4000, $0x38;
	[tilespmem:$0x1BC80] =	vst v63  }
0x53: {  	_ =	swait.ge [sflag:s9], $0x4000  }
0x54: {  	[sflag:s9] =	ssyncset.done $0x0  }
0x55: {  	s28 =	rddreg [dreg:$0x16];
	[sflag:s9] =	ssyncadd.s32 $0xFFFFC000  }
0x56: {  	[spmem:s28] =	stream.linear.scatter [tilespmem:s8], [sflag:$0x7], $0x4000, $0x38;
	[tilespmem:$0x1BC80] =	vst v63  }
0x57: {  	_ =	swait.ge [sflag:s9], $0x4000  }
0x58: {  	[sflag:s9] =	ssyncset.done $0x0  }
0x59: {  	[sflag:s9] =	ssyncadd.s32 $0xFFFFC000  }
0x5a: {  	[spmem:s30] =	stream.linear.scatter [tilespmem:s8], [sflag:$0x7], $0x3800, $0x38;
	[tilespmem:$0x1BC80] =	vst v63  }
0x5b: {  	_ =	swait.ge [sflag:s9], $0x3800  }
0x5c: {  	[sflag:s9] =	ssyncset.done $0x0  }
0x5d: {  	s25 =	simm.s32 @!p1 $0x4400;
	[sflag:s9] =	ssyncadd.s32 $0xFFFFC800  }
0x5e: {  	[spmem:s31] =	stream.linear.scatter @!p1 [tilespmem:s25], [sflag:$0x7], $0x800, $0x38;
	[tilespmem:$0x1BC80] =	vst v63  }
0x5f: {  	s25 =	simm.s32 @!p1 $0x7  }
0x60: {  	_ =	swait.ge @!p1 [sflag:s25], $0x800  }
0x61: {  	[sflag:s25] =	ssyncset.done @!p1 $0x0  }
0x62: {  	[sflag:s25] =	ssyncadd.s32 @!p1 $0xFFFFF800  }
0x63: {  	[bflag:$0x0] =	sbarrier.arrive $0xFFFF  }
0x64: {  	_ =	swait.ge [sflag:s10], $0x100  }
0x65: {  	[sflag:s10] =	ssyncset.done $0x0  }
0x66: {  	[sflag:s10] =	ssyncadd.s32 $0xFFFFFF00  }
0x67: {  	[tilespmem:s8], [sflag:$0x6] =	stream.indirect.gather [hbm4b:s0+s24], $0x80, s2, s24, $0xb8;
	[tilespmem:$0x1BC80] =	vst v63  }
0x68: {  	_ =	swait.ge [sflag:s12], $0x4000  }
0x69: {  	[sflag:s12] =	ssyncset.done $0x0  }
0x6a: {  	[sflag:s12] =	ssyncadd.s32 $0xFFFFC000  }
0x6b: {  	[spmem:s4] =	stream.indirect.scatter.add.f32 [tilespmem:s5], [sflag:$0x5], $0x80, s24, s24, $0xb8;
	[tilespmem:$0x1BC80] =	vst v63  }
0x6c: {  	_ =	swait.ge [sflag:s13], $0x100  }
0x6d: {  	[sflag:s13] =	ssyncset.done $0x0  }
0x6e: {  	[sflag:s13] =	ssyncadd.s32 $0xFFFFFF00  }
0x6f: {  	_ =	swait.ge [sflag:s12], $0x4000  }
0x70: {  	[sflag:s12] =	ssyncset.done $0x0  }
0x71: {  	[sflag:s12] =	ssyncadd.s32 $0xFFFFC000  }
0x72: {  	[tilespmem:s5], [sflag:$0x5] =	stream.indirect.gather [hbm4b:s0+s24], $0x80, s1, s24, $0xb8;
	[tilespmem:$0x1BC80] =	vst v63  }
0x73: {  	s25 =	simm.s32 $0x0;
	s26 =	rddreg [dreg:$0xa]  }
0x74: {  	[tilespmem:s25], [sflag:$0x1] =	stream.linear.gather [hbm4b:s26+s25], $0x100, $0x38;
	[tilespmem:$0x1BC80] =	vst v63  }
0x75: {  	_ =	swait.ge [sflag:s14], $0x4000  }
0x76: {  	[sflag:s14] =	ssyncset.done $0x0  }
0x77: {  	[sflag:s14] =	ssyncadd.s32 $0xFFFFC000  }
0x78: {  	[spmem:s4] =	stream.indirect.scatter.add.f32 [tilespmem:s8], [sflag:$0x6], $0x80, s7, s24, $0xb8;
	[tilespmem:$0x1BC80] =	vst v63  }
0x79: {  	_ =	swait.ge [sflag:s15], $0x100  }
0x7a: {  	[sflag:s15] =	ssyncset.done $0x0  }
0x7b: {  	[sflag:s15] =	ssyncadd.s32 $0xFFFFFF00  }
0x7c: {  	_ =	swait.ge [sflag:s14], $0x4000  }
0x7d: {  	[sflag:s14] =	ssyncset.done $0x0  }
0x7e: {  	[sflag:s14] =	ssyncadd.s32 $0xFFFFC000  }
0x7f: {  	[tilespmem:s8], [sflag:$0x6] =	stream.indirect.gather [hbm4b:s0+s24], $0x80, s3, s24, $0xb8;
	[tilespmem:$0x1BC80] =	vst v63  }
0x80: {  	s29 =	rddreg [dreg:$0xb]  }
0x81: {  	[tilespmem:s2], [sflag:$0x2] =	stream.linear.gather [hbm4b:s29+s25], $0x100, $0x38;
	[tilespmem:$0x1BC80] =	vst v63  }
0x82: {  	_ =	swait.ge [sflag:s12], $0x4000  }
0x83: {  	[sflag:s12] =	ssyncset.done $0x0  }
0x84: {  	[sflag:s12] =	ssyncadd.s32 $0xFFFFC000  }
0x85: {  	[spmem:s4] =	stream.indirect.scatter.add.f32 [tilespmem:s5], [sflag:$0x5], $0x80, s16, s24, $0xb8;
	[tilespmem:$0x1BC80] =	vst v63  }
0x86: {  	_ =	swait.ge [sflag:s23], $0x100  }
0x87: {  	[sflag:s23] =	ssyncset.done $0x0  }
0x88: {  	[sflag:s23] =	ssyncadd.s32 $0xFFFFFF00  }
0x89: {  	_ =	swait.ge [sflag:s12], $0x4000  }
0x8a: {  	[sflag:s12] =	ssyncset.done $0x0  }
0x8b: {  	[sflag:s12] =	ssyncadd.s32 $0xFFFFC000  }
0x8c: {  	[tilespmem:s5], [sflag:$0x5] =	stream.indirect.gather [hbm4b:s0+s24], $0x80, s25, s24, $0xb8;
	[tilespmem:$0x1BC80] =	vst v63  }
0x8d: {  	s28 =	rddreg [dreg:$0xc]  }
0x8e: {  	[tilespmem:s1], [sflag:$0x3] =	stream.linear.gather [hbm4b:s28+s25], $0x100, $0x38;
	[tilespmem:$0x1BC80] =	vst v63  }
0x8f: {  	_ =	swait.ge [sflag:s14], $0x4000  }
0x90: {  	[sflag:s14] =	ssyncset.done $0x0  }
0x91: {  	[sflag:s14] =	ssyncadd.s32 $0xFFFFC000  }
0x92: {  	[spmem:s4] =	stream.indirect.scatter.add.f32 [tilespmem:s8], [sflag:$0x6], $0x80, s21, s24, $0xb8;
	[tilespmem:$0x1BC80] =	vst v63  }
0x93: {  	_ =	swait.ge [sflag:s10], $0x100  }
0x94: {  	[sflag:s10] =	ssyncset.done $0x0  }
0x95: {  	[sflag:s10] =	ssyncadd.s32 $0xFFFFFF00  }
0x96: {  	_ =	swait.ge [sflag:s14], $0x4000  }
0x97: {  	[sflag:s14] =	ssyncset.done $0x0  }
0x98: {  	[sflag:s14] =	ssyncadd.s32 $0xFFFFC000  }
0x99: {  	[tilespmem:s8], [sflag:$0x6] =	stream.indirect.gather [hbm4b:s0+s24], $0x80, s2, s24, $0xb8;
	[tilespmem:$0x1BC80] =	vst v63  }
0x9a: {  	s29 =	sadd.s32 $0x0, s20  }
0x9b: {  	[tilespmem:s3], [sflag:$0x4] =	stream.linear.gather [hbm4b:s29+s6], $0x100, $0x38;
	[tilespmem:$0x1BC80] =	vst v63  }
0x9c: {  	_ =	swait.ge [sflag:s12], $0x4000  }
0x9d: {  	[sflag:s12] =	ssyncset.done $0x0  }
0x9e: {  	[sflag:s12] =	ssyncadd.s32 $0xFFFFC000  }
0x9f: {  	[spmem:s4] =	stream.indirect.scatter.add.f32 [tilespmem:s5], [sflag:$0x5], $0x80, s24, s24, $0xb8;
	[tilespmem:$0x1BC80] =	vst v63  }
0xa0: {  	_ =	swait.ge [sflag:s13], $0x100  }
0xa1: {  	[sflag:s13] =	ssyncset.done $0x0  }
0xa2: {  	[sflag:s13] =	ssyncadd.s32 $0xFFFFFF00  }
0xa3: {  	_ =	swait.ge [sflag:s12], $0x4000  }
0xa4: {  	[sflag:s12] =	ssyncset.done $0x0  }
0xa5: {  	[sflag:s12] =	ssyncadd.s32 $0xFFFFC000  }
0xa6: {  	[tilespmem:s5], [sflag:$0x5] =	stream.indirect.gather [hbm4b:s0+s24], $0x80, s1, s24, $0xb8;
	[tilespmem:$0x1BC80] =	vst v63  }
0xa7: {  	s26 =	sadd.s32 $0x0, s19  }
0xa8: {  	[tilespmem:s6], [sflag:$0x1] =	stream.linear.gather [hbm4b:s26+s6], $0x100, $0x38;
	[tilespmem:$0x1BC80] =	vst v63  }
0xa9: {  	_ =	swait.ge [sflag:s14], $0x4000  }
0xaa: {  	[sflag:s14] =	ssyncset.done $0x0  }
0xab: {  	[sflag:s14] =	ssyncadd.s32 $0xFFFFC000  }
0xac: {  	[spmem:s4] =	stream.indirect.scatter.add.f32 [tilespmem:s8], [sflag:$0x6], $0x80, s7, s24, $0xb8;
	[tilespmem:$0x1BC80] =	vst v63  }
0xad: {  	_ =	swait.ge [sflag:s15], $0x100  }
0xae: {  	[sflag:s15] =	ssyncset.done $0x0  }
0xaf: {  	[sflag:s15] =	ssyncadd.s32 $0xFFFFFF00  }
0xb0: {  	_ =	swait.ge [sflag:s14], $0x4000  }
0xb1: {  	[sflag:s14] =	ssyncset.done $0x0  }
0xb2: {  	[sflag:s14] =	ssyncadd.s32 $0xFFFFC000  }
0xb3: {  	[tilespmem:s8], [sflag:$0x6] =	stream.indirect.gather [hbm4b:s0+s24], $0x80, s3, s24, $0xb8;
	[tilespmem:$0x1BC80] =	vst v63  }
0xb4: {  	s28 =	sadd.s32 $0x0, s18  }
0xb5: {  	[tilespmem:s2], [sflag:$0x2] =	stream.linear.gather [hbm4b:s28+s6], $0x100, $0x38;
	[tilespmem:$0x1BC80] =	vst v63  }
0xb6: {  	_ =	swait.ge [sflag:s12], $0x4000  }
0xb7: {  	[sflag:s12] =	ssyncset.done $0x0  }
0xb8: {  	[sflag:s12] =	ssyncadd.s32 $0xFFFFC000  }
0xb9: {  	[spmem:s4] =	stream.indirect.scatter.add.f32 [tilespmem:s5], [sflag:$0x5], $0x80, s16, s24, $0xb8;
	[tilespmem:$0x1BC80] =	vst v63  }
0xba: {  	_ =	swait.ge [sflag:s23], $0x100  }
0xbb: {  	[sflag:s23] =	ssyncset.done $0x0  }
0xbc: {  	[sflag:s23] =	ssyncadd.s32 $0xFFFFFF00  }
0xbd: {  	_ =	swait.ge [sflag:s12], $0x4000  }
0xbe: {  	[sflag:s12] =	ssyncset.done $0x0  }
0xbf: {  	[sflag:s12] =	ssyncadd.s32 $0xFFFFC000  }
0xc0: {  	[tilespmem:s5], [sflag:$0x5] =	stream.indirect.gather [hbm4b:s0+s24], $0x80, s6, s24, $0xb8;
	[tilespmem:$0x1BC80] =	vst v63  }
0xc1: {  	s29 =	sadd.s32 $0x0, s17  }
0xc2: {  	[tilespmem:s1], [sflag:$0x3] =	stream.linear.gather [hbm4b:s29+s6], $0x100, $0x38;
	[tilespmem:$0x1BC80] =	vst v63  }
0xc3: {  	_ =	swait.ge [sflag:s14], $0x4000  }
0xc4: {  	[sflag:s14] =	ssyncset.done $0x0  }
0xc5: {  	s25 =	simm.s32 $0x80;
	[sflag:s14] =	ssyncadd.s32 $0xFFFFC000  }
.LBB2_4:
0xc6: {  	[spmem:s4] =	stream.indirect.scatter.add.f32 [tilespmem:s8], [sflag:$0x6], $0x80, s21, s24, $0xb8;
	[tilespmem:$0x1BC80] =	vst v63  }
0xc7: {  	s26 =	smov.u32 s25  }
0xc8: {  	p4 =	sne.s32 s25, $0x800;
	s25 =	sadd.s32 $0x80, s25;
	_ =	swait.ge [sflag:s10], $0x100  }
0xc9: {  	[sflag:s10] =	ssyncset.done $0x0  }
0xca: {  	[sflag:s10] =	ssyncadd.s32 $0xFFFFFF00  }
0xcb: {  	_ =	swait.ge [sflag:s14], $0x4000  }
0xcc: {  	[sflag:s14] =	ssyncset.done $0x0  }
0xcd: {  	[sflag:s14] =	ssyncadd.s32 $0xFFFFC000  }
0xce: {  	[tilespmem:s8], [sflag:$0x6] =	stream.indirect.gather [hbm4b:s0+s24], $0x80, s2, s24, $0xb8;
	[tilespmem:$0x1BC80] =	vst v63  }
0xcf: {  	s28 =	sadd.s32 s26, s20  }
0xd0: {  	[tilespmem:s3], [sflag:$0x4] =	stream.linear.gather [hbm4b:s28+s6], $0x100, $0x38;
	[tilespmem:$0x1BC80] =	vst v63  }
0xd1: {  	_ =	swait.ge [sflag:s12], $0x4000  }
0xd2: {  	[sflag:s12] =	ssyncset.done $0x0  }
0xd3: {  	[sflag:s12] =	ssyncadd.s32 $0xFFFFC000  }
0xd4: {  	[spmem:s4] =	stream.indirect.scatter.add.f32 [tilespmem:s5], [sflag:$0x5], $0x80, s24, s24, $0xb8;
	[tilespmem:$0x1BC80] =	vst v63  }
0xd5: {  	_ =	swait.ge [sflag:s13], $0x100  }
0xd6: {  	[sflag:s13] =	ssyncset.done $0x0  }
0xd7: {  	[sflag:s13] =	ssyncadd.s32 $0xFFFFFF00  }
0xd8: {  	_ =	swait.ge [sflag:s12], $0x4000  }
0xd9: {  	[sflag:s12] =	ssyncset.done $0x0  }
0xda: {  	[sflag:s12] =	ssyncadd.s32 $0xFFFFC000  }
0xdb: {  	[tilespmem:s5], [sflag:$0x5] =	stream.indirect.gather [hbm4b:s0+s24], $0x80, s1, s24, $0xb8;
	[tilespmem:$0x1BC80] =	vst v63  }
0xdc: {  	s28 =	sadd.s32 s26, s19  }
0xdd: {  	[tilespmem:s6], [sflag:$0x1] =	stream.linear.gather [hbm4b:s28+s6], $0x100, $0x38;
	[tilespmem:$0x1BC80] =	vst v63  }
0xde: {  	_ =	swait.ge [sflag:s14], $0x4000  }
0xdf: {  	[sflag:s14] =	ssyncset.done $0x0  }
0xe0: {  	[sflag:s14] =	ssyncadd.s32 $0xFFFFC000  }
0xe1: {  	[spmem:s4] =	stream.indirect.scatter.add.f32 [tilespmem:s8], [sflag:$0x6], $0x80, s7, s24, $0xb8;
	[tilespmem:$0x1BC80] =	vst v63  }
0xe2: {  	_ =	swait.ge [sflag:s15], $0x100  }
0xe3: {  	[sflag:s15] =	ssyncset.done $0x0  }
0xe4: {  	[sflag:s15] =	ssyncadd.s32 $0xFFFFFF00  }
0xe5: {  	_ =	swait.ge [sflag:s14], $0x4000  }
0xe6: {  	[sflag:s14] =	ssyncset.done $0x0  }
0xe7: {  	[sflag:s14] =	ssyncadd.s32 $0xFFFFC000  }
0xe8: {  	[tilespmem:s8], [sflag:$0x6] =	stream.indirect.gather [hbm4b:s0+s24], $0x80, s3, s24, $0xb8;
	[tilespmem:$0x1BC80] =	vst v63  }
0xe9: {  	s28 =	sadd.s32 s26, s18  }
0xea: {  	[tilespmem:s2], [sflag:$0x2] =	stream.linear.gather [hbm4b:s28+s6], $0x100, $0x38;
	[tilespmem:$0x1BC80] =	vst v63  }
0xeb: {  	_ =	swait.ge [sflag:s12], $0x4000  }
0xec: {  	[sflag:s12] =	ssyncset.done $0x0  }
0xed: {  	[sflag:s12] =	ssyncadd.s32 $0xFFFFC000  }
0xee: {  	[spmem:s4] =	stream.indirect.scatter.add.f32 [tilespmem:s5], [sflag:$0x5], $0x80, s16, s24, $0xb8;
	[tilespmem:$0x1BC80] =	vst v63  }
0xef: {  	_ =	swait.ge [sflag:s23], $0x100  }
0xf0: {  	[sflag:s23] =	ssyncset.done $0x0  }
0xf1: {  	[sflag:s23] =	ssyncadd.s32 $0xFFFFFF00  }
0xf2: {  	_ =	swait.ge [sflag:s12], $0x4000  }
0xf3: {  	[sflag:s12] =	ssyncset.done $0x0  }
0xf4: {  	[sflag:s12] =	ssyncadd.s32 $0xFFFFC000  }
0xf5: {  	[tilespmem:s5], [sflag:$0x5] =	stream.indirect.gather [hbm4b:s0+s24], $0x80, s6, s24, $0xb8;
	[tilespmem:$0x1BC80] =	vst v63  }
.Ltmp3:
0xf6: {  	s26 =	sadd.s32 s26, s17;
	(pc) =	sbr.rel @p4 .LBB2_4-.Ltmp3, $4  }
0xf7: {  	[tilespmem:s1], [sflag:$0x3] =	stream.linear.gather [hbm4b:s26+s6], $0x100, $0x38;
	[tilespmem:$0x1BC80] =	vst v63  }
0xf8: {  	_ =	swait.ge [sflag:s14], $0x4000  }
0xf9: {  	[sflag:s14] =	ssyncset.done $0x0  }
0xfa: {  	[sflag:s14] =	ssyncadd.s32 $0xFFFFC000  }
0xfb: {  	[spmem:s4] =	stream.indirect.scatter.add.f32 [tilespmem:s8], [sflag:$0x6], $0x80, s21, s24, $0xb8;
	[tilespmem:$0x1BC80] =	vst v63  }
0xfc: {  	_ =	swait.ge [sflag:s10], $0x100  }
0xfd: {  	[sflag:s10] =	ssyncset.done $0x0  }
0xfe: {  	[sflag:s10] =	ssyncadd.s32 $0xFFFFFF00  }
0xff: {  	_ =	swait.ge [sflag:s14], $0x4000  }
0x100: {  	[sflag:s14] =	ssyncset.done $0x0  }
0x101: {  	[sflag:s14] =	ssyncadd.s32 $0xFFFFC000  }
0x102: {  	[tilespmem:s8], [sflag:$0x6] =	stream.indirect.gather [hbm4b:s0+s24], $0x80, s2, s24, $0xb8;
	[tilespmem:$0x1BC80] =	vst v63  }
0x103: {  	s25 =	rddreg [dreg:$0xd]  }
0x104: {  	[tilespmem:s3], [sflag:$0x4] =	stream.linear.gather [hbm4b:s25+s6], $0x100, $0x38;
	[tilespmem:$0x1BC80] =	vst v63  }
0x105: {  	_ =	swait.ge [sflag:s12], $0x4000  }
0x106: {  	[sflag:s12] =	ssyncset.done $0x0  }
0x107: {  	[sflag:s12] =	ssyncadd.s32 $0xFFFFC000  }
0x108: {  	[spmem:s4] =	stream.indirect.scatter.add.f32 [tilespmem:s5], [sflag:$0x5], $0x80, s24, s24, $0xb8;
	[tilespmem:$0x1BC80] =	vst v63  }
0x109: {  	_ =	swait.ge [sflag:s13], $0x100  }
0x10a: {  	[sflag:s13] =	ssyncset.done $0x0  }
0x10b: {  	[sflag:s13] =	ssyncadd.s32 $0xFFFFFF00  }
0x10c: {  	_ =	swait.ge [sflag:s12], $0x4000  }
0x10d: {  	[sflag:s12] =	ssyncset.done $0x0  }
0x10e: {  	[sflag:s12] =	ssyncadd.s32 $0xFFFFC000  }
0x10f: {  	[tilespmem:s5], [sflag:$0x5] =	stream.indirect.gather [hbm4b:s0+s24], $0x80, s1, s24, $0xb8;
	[tilespmem:$0x1BC80] =	vst v63  }
0x110: {  	s29 =	rddreg [dreg:$0xe]  }
0x111: {  	[tilespmem:s6], [sflag:$0x1] =	stream.linear.gather [hbm4b:s29+s6], $0x100, $0x38;
	[tilespmem:$0x1BC80] =	vst v63  }
0x112: {  	_ =	swait.ge [sflag:s14], $0x4000  }
0x113: {  	[sflag:s14] =	ssyncset.done $0x0  }
0x114: {  	[sflag:s14] =	ssyncadd.s32 $0xFFFFC000  }
0x115: {  	[spmem:s4] =	stream.indirect.scatter.add.f32 [tilespmem:s8], [sflag:$0x6], $0x80, s7, s24, $0xb8;
	[tilespmem:$0x1BC80] =	vst v63  }
0x116: {  	_ =	swait.ge [sflag:s15], $0x100  }
0x117: {  	[sflag:s15] =	ssyncset.done $0x0  }
0x118: {  	[sflag:s15] =	ssyncadd.s32 $0xFFFFFF00  }
0x119: {  	_ =	swait.ge [sflag:s14], $0x4000  }
0x11a: {  	[sflag:s14] =	ssyncset.done $0x0  }
0x11b: {  	[sflag:s14] =	ssyncadd.s32 $0xFFFFC000  }
0x11c: {  	[tilespmem:s8], [sflag:$0x6] =	stream.indirect.gather [hbm4b:s0+s24], $0x80, s3, s24, $0xb8;
	[tilespmem:$0x1BC80] =	vst v63  }
0x11d: {  	s26 =	rddreg [dreg:$0xf]  }
0x11e: {  	[tilespmem:s2], [sflag:$0x2] =	stream.linear.gather [hbm4b:s26+s6], $0x100, $0x38;
	[tilespmem:$0x1BC80] =	vst v63  }
0x11f: {  	_ =	swait.ge [sflag:s12], $0x4000  }
0x120: {  	[sflag:s12] =	ssyncset.done $0x0  }
0x121: {  	[sflag:s12] =	ssyncadd.s32 $0xFFFFC000  }
0x122: {  	[spmem:s4] =	stream.indirect.scatter.add.f32 [tilespmem:s5], [sflag:$0x5], $0x80, s16, s24, $0xb8;
	[tilespmem:$0x1BC80] =	vst v63  }
0x123: {  	_ =	swait.ge [sflag:s23], $0x100  }
0x124: {  	[sflag:s23] =	ssyncset.done $0x0  }
0x125: {  	[sflag:s23] =	ssyncadd.s32 $0xFFFFFF00  }
0x126: {  	_ =	swait.ge [sflag:s12], $0x4000  }
0x127: {  	[sflag:s12] =	ssyncset.done $0x0  }
0x128: {  	[sflag:s12] =	ssyncadd.s32 $0xFFFFC000  }
0x129: {  	[tilespmem:s5], [sflag:$0x5] =	stream.indirect.gather [hbm4b:s0+s24], $0x80, s6, s24, $0xb8;
	[tilespmem:$0x1BC80] =	vst v63  }
0x12a: {  	_ =	swait.ge [sflag:s14], $0x4000  }
0x12b: {  	[sflag:s14] =	ssyncset.done $0x0  }
0x12c: {  	[sflag:s14] =	ssyncadd.s32 $0xFFFFC000  }
0x12d: {  	[spmem:s4] =	stream.indirect.scatter.add.f32 [tilespmem:s8], [sflag:$0x6], $0x80, s21, s24, $0xb8;
	[tilespmem:$0x1BC80] =	vst v63  }
0x12e: {  	_ =	swait.ge [sflag:s10], $0x100  }
0x12f: {  	[sflag:s10] =	ssyncset.done $0x0  }
0x130: {  	[sflag:s10] =	ssyncadd.s32 $0xFFFFFF00  }
0x131: {  	_ =	swait.ge [sflag:s14], $0x4000  }
0x132: {  	[sflag:s14] =	ssyncset.done $0x0  }
0x133: {  	[sflag:s14] =	ssyncadd.s32 $0xFFFFC000  }
0x134: {  	[tilespmem:s8], [sflag:$0x6] =	stream.indirect.gather [hbm4b:s0+s24], $0x80, s2, s24, $0xb8;
	[tilespmem:$0x1BC80] =	vst v63  }
0x135: {  	_ =	swait.ge [sflag:s12], $0x4000  }
0x136: {  	[sflag:s12] =	ssyncset.done $0x0  }
0x137: {  	[sflag:s12] =	ssyncadd.s32 $0xFFFFC000  }
0x138: {  	[spmem:s4] =	stream.indirect.scatter.add.f32 [tilespmem:s5], [sflag:$0x5], $0x80, s24, s24, $0xb8;
	[tilespmem:$0x1BC80] =	vst v63  }
0x139: {  	_ =	swait.ge [sflag:s12], $0x4000  }
0x13a: {  	[sflag:s12] =	ssyncset.done $0x0  }
0x13b: {  	[sflag:s12] =	ssyncadd.s32 $0xFFFFC000  }
0x13c: {  	_ =	swait.ge [sflag:s14], $0x4000  }
0x13d: {  	[sflag:s14] =	ssyncset.done $0x0  }
0x13e: {  	[sflag:s14] =	ssyncadd.s32 $0xFFFFC000  }
0x13f: {  	[spmem:s4] =	stream.indirect.scatter.add.f32 [tilespmem:s8], [sflag:$0x6], $0x80, s7, s24, $0xb8;
	[tilespmem:$0x1BC80] =	vst v63  }
0x140: {  	_ =	swait.ge [sflag:s14], $0x4000  }
0x141: {  	[sflag:s14] =	ssyncset.done $0x0  }
0x142: {  	s25 =	simm.s32 @!p2 $0x0;
	s26 =	rddreg [dreg:$0x10];
	[sflag:s14] =	ssyncadd.s32 $0xFFFFC000  }
0x143: {  	[tilespmem:s25], [sflag:$0x7] =	stream.linear.gather @!p2 [hbm4b:s26+s25], $0x100, $0x38;
	[tilespmem:$0x1BC80] =	vst v63  }
0x144: {  	s26 =	simm.s32 @!p2 $0x7  }
0x145: {  	_ =	swait.ge @!p2 [sflag:s26], $0x100  }
0x146: {  	[sflag:s26] =	ssyncset.done @!p2 $0x0  }
0x147: {  	s28 =	simm.s32 @!p2 $0x80;
	s29 =	simm.s32 @!p2 $0x400;
	[sflag:s26] =	ssyncadd.s32 @!p2 $0xFFFFFF00  }
0x148: {  	[tilespmem:s29], [sflag:$0x5] =	stream.indirect.gather @!p2 [hbm4b:s0+s28], $0x80, s25, s28, $0xb8;
	[tilespmem:$0x1BC80] =	vst v63  }
0x149: {  	s25 =	simm.s32 @!p2 $0x5  }
0x14a: {  	_ =	swait.ge @!p2 [sflag:s25], $0x4000  }
0x14b: {  	[sflag:s25] =	ssyncset.done @!p2 $0x0  }
0x14c: {  	[sflag:s25] =	ssyncadd.s32 @!p2 $0xFFFFC000  }
0x14d: {  	[spmem:s4] =	stream.indirect.scatter.add.f32 @!p2 [tilespmem:s29], [sflag:$0x7], $0x80, s28, s28, $0xb8;
	[tilespmem:$0x1BC80] =	vst v63  }
.Ltmp4:
0x14e: {  	_ =	swait.ge @!p2 [sflag:s26], $0x4000;
	(pc) =	sbr.rel @!p0 .LBB2_6-.Ltmp4, $4  }
0x14f: {  	[sflag:s26] =	ssyncset.done @!p2 $0x0  }
0x150: {  	s29 =	stileid.u32;
	[sflag:s26] =	ssyncadd.s32 @!p2 $0xFFFFC000  }
0x151: {  	s28 =	sshll.u32 s29, $0x6;
	[bflag:$0x0] =	sbarrier.arrive $0xFFFF  }
0x152: {  	s25 =	sor.u32 $0x1C07, s28;
	s26 =	sshrl.u32 s11, $0x3  }
0x153: {  	s25 =	sor.u32 $0x1C07, s28;
	s29 =	rddreg [dreg:$0x12]  }
0x154: {  	[hbm:s29], [sflag:s25] =	dma.local [spmem:s26], $0x2700  }
.Ltmp5:
0x155: {  	_ = 	snop;
	(pc) =	sbr.rel @p1 .LBB2_9-.Ltmp5, $4  }
.Ltmp6:
0x156: {  	_ =	swait.ge [sflag:s9], $0x2700;
	(pc) =	sbr.rel @!p1 .LBB2_8-.Ltmp6, $4  }
0x157: {  	[sflag:s9] =	ssyncset.done $0x0  }
0x158: {  	[sflag:s9] =	ssyncadd.s32 $0xFFFFD900  }
0x159: {  	s26 =	rddreg [dreg:$0x3]  }
0x15a: {  	_ = 	snop  }
.LBB2_6:
0x15b: {  	s28 =	rddreg [dreg:$0x11]  }
0x15c: {  	[hbm:s28], [sflag:s25] =	dma.local [spmem:s26], $0x2700  }
.Ltmp7:
0x15d: {  	_ = 	snop;
	(pc) =	sbr.rel @!p3 .LBB2_9-.Ltmp7, $4  }
.Ltmp8:
0x15e: {  	_ =	swait.ge [sflag:s9], $0x2700;
	(pc) =	sbr.rel @p3 .LBB2_8-.Ltmp8, $4  }
0x15f: {  	[sflag:s9] =	ssyncset.done $0x0  }
0x160: {  	[sflag:s9] =	ssyncadd.s32 $0xFFFFD900  }
0x161: {  	s26 =	rddreg [dreg:$0x2]  }
0x162: {  	_ = 	snop  }
.LBB2_10:
0x163: {  	_ =	sfence.sel $0x180000  }
0x164: {  	[bflag:$0x0] =	sbarrier.arrive $0xFFFF  }
0x165: {  	_ =	strace $0x90000047  }
0x166: {  	[bflag:$0x2] =	sbarrier.arrive $0xFFFF  }
0x167: {  	s0 =	rddreg [dreg:$0x5]  }
0x168: {  	s0 =	sadd.s32 @!p1 $0x100000, s0  }
0x169: {  	[sflag:s0] =	ssyncadd.tile.s32 @!p1 $0x1;
	_ =	shalt  }
.Lfunc_end2:
_tile_overlayer_lowered:
.L_overlay_start_2:
0x16a: {  	(tag) =	ssettag $0x2  }
0x16b: {  	s0 =	rddreg [dreg:$0x0];
	s2 =	stileid.u32  }
0x16c: {  	s1 =	rddreg [dreg:$0x1];
	p0 =	sne.s32 s2, $0x0  }
0x16d: {  	s3 =	rddreg [dreg:$0x2];
	[bflag:$0x3] =	sbarrier.arrive $0xFFFF;
	s2 =	simm.s32 @!p0 $0x1C07  }
0x16e: {  	[timem:s3], [sflag:s2] =	dma.local @!p0 [hbm:s0], s1  }
0x16f: {  	s0 =	simm.s32 @!p0 $0x7  }
0x170: {  	_ =	swait.ge @!p0 [sflag:s0], s1  }
0x171: {  	s1 =	ssub.s32 @!p0 $0x0, s1;
	[sflag:s0] =	ssyncset.done @!p0 $0x0  }
0x172: {  	[sflag:s0] =	ssyncadd.s32 @!p0 s1  }
0x173: {  	[bflag:$0x3] =	sbarrier.arrive $0xFFFF  }
0x174: {  	_ =	shalt  }

</sc_bundles>
